<compile_context>
chip_gen: v7x
topology: tpu7x:2x2x1
jax: 0.10.2.dev20260603
libtpu: 0.0.44.dev20260713+nightly
codegen_flags: <defaults>
</compile_context>

<pallas_src>
import functools

import jax
import jax.numpy as jnp
from jax import lax
from jax.experimental import pallas as pl
from jax.experimental.pallas import tpu as pltpu
from jax.experimental.pallas import tpu_sc as plsc

_SC_CORES = 2
_SC_SUBCORES = 16
_SC_WORKERS = _SC_CORES * _SC_SUBCORES


def _router_body(x_ref, gw_ref, pos_ref, wtb_ref, offs_ref):
    T = x_ref.shape[0]
    E = gw_ref.shape[0]
    x = x_ref[...]
    gw = gw_ref[...]
    logits = jax.lax.dot_general(x, gw, (((1,), (1,)), ((), ())),
                                 preferred_element_type=jnp.float32)
    m = jnp.max(logits, axis=1, keepdims=True)
    s = jnp.sum(jnp.exp(logits - m), axis=1, keepdims=True)
    topv = 1.0 / s
    wt = topv / (topv + 1e-8)

    lane = jax.lax.broadcasted_iota(jnp.int32, (T, E), 1)
    cand = jnp.where(logits >= m, lane, E)
    topi = jnp.min(cand, axis=1, keepdims=True)

    onehot = (lane == topi).astype(jnp.bfloat16)
    CH = 128
    NCH = T // CH
    ri = jax.lax.broadcasted_iota(jnp.int32, (CH, CH), 0)
    ci = jax.lax.broadcasted_iota(jnp.int32, (CH, CH), 1)
    tril = (ci <= ri).astype(jnp.bfloat16)
    dn_lo = (((1,), (0,)), ((), ()))
    runs = [jax.lax.dot_general(tril, onehot[k * CH:(k + 1) * CH, :], dn_lo,
                                preferred_element_type=jnp.float32)
            for k in range(NCH)]
    totals = jnp.concatenate([r[CH - 1:CH, :] for r in runs], axis=0)
    ki = jax.lax.broadcasted_iota(jnp.int32, (NCH, NCH), 0)
    kj = jax.lax.broadcasted_iota(jnp.int32, (NCH, NCH), 1)
    strl = (ki < kj).astype(jnp.float32)
    cpre = jax.lax.dot_general(strl, totals, (((0,), (0,)), ((), ())),
                               preferred_element_type=jnp.float32,
                               precision=jax.lax.Precision.HIGHEST)
    counts = cpre[NCH - 1:NCH, :] + totals[NCH - 1:NCH, :]
    ei = jax.lax.broadcasted_iota(jnp.int32, (E, E), 0)
    ej = jax.lax.broadcasted_iota(jnp.int32, (E, E), 1)
    sut = (ei < ej).astype(jnp.float32)
    excl = jax.lax.dot_general(counts, sut, (((1,), (0,)), ((), ())),
                               preferred_element_type=jnp.float32,
                               precision=jax.lax.Precision.HIGHEST)
    onef = onehot.astype(jnp.float32)
    run = jnp.concatenate(
        [runs[k] + cpre[k:k + 1, :] for k in range(NCH)], axis=0)
    posf = jnp.sum(onef * (excl + run - 1.0), axis=1, keepdims=True)
    pos_ref[...] = posf.astype(jnp.int32)
    wtb_ref[...] = jnp.broadcast_to(wt, (T, 128))
    offs_ref[...] = jnp.concatenate(
        [excl.astype(jnp.int32), jnp.full((1, 128 - E), T, jnp.int32)], axis=1)


def _permute_body(pos_ref, src_ref, srcw_ref, dst_ref, dstw_ref, *, invert):
    T = src_ref.shape[0]
    posv = pos_ref[...]
    lane = jax.lax.broadcasted_iota(jnp.int32, (T, T), 1)
    oh = (lane == posv).astype(jnp.bfloat16)
    if invert:
        dims = (((1,), (0,)), ((), ()))
    else:
        dims = (((0,), (0,)), ((), ()))

    def apply(v):
        hi = v.astype(jnp.bfloat16)
        lo = (v - hi.astype(jnp.float32)).astype(jnp.bfloat16)
        out = jax.lax.dot_general(oh, hi, dims, preferred_element_type=jnp.float32)
        out += jax.lax.dot_general(oh, lo, dims, preferred_element_type=jnp.float32)
        return out

    dst_ref[...] = apply(src_ref[...])
    if srcw_ref is not None:
        dstw_ref[...] = apply(srcw_ref[...])


def _sc_worker_base(chunk):
    wid = lax.axis_index("s") * _SC_CORES + lax.axis_index("c")
    return wid * chunk


def _dispatch_sc_body(pos_hbm, x_hbm, wtb_hbm, sx_hbm, swtb_hbm,
                      idx_v, rows_v, wrows_v, sem, *, chunk):
    base = _sc_worker_base(chunk)
    pltpu.sync_copy(pos_hbm.at[pl.ds(base, chunk)], idx_v)
    pltpu.sync_copy(x_hbm.at[pl.ds(base, chunk)], rows_v)
    pltpu.sync_copy(wtb_hbm.at[pl.ds(base, chunk)], wrows_v)
    pltpu.async_copy(rows_v, sx_hbm.at[idx_v], sem).wait()
    pltpu.async_copy(wrows_v, swtb_hbm.at[idx_v], sem).wait()


def _combine_sc_body(pos_hbm, comb_hbm, out_hbm, idx_v, rows_v, sem, *,
                     chunk):
    base = _sc_worker_base(chunk)
    pltpu.sync_copy(pos_hbm.at[pl.ds(base, chunk)], idx_v)
    pltpu.async_copy(comb_hbm.at[idx_v], rows_v, sem).wait()
    pltpu.sync_copy(rows_v, out_hbm.at[pl.ds(base, chunk)])


def _gelu(v):
    return v * 0.5 * (1.0 + jax.lax.erf(v * 0.7071067811865476))


def _ffn_body(offs_ref, xs_ref, swt_ref, w1_ref, b1_ref, w2_ref, b2_ref,
              out_ref, *, tm, eb):
    T = xs_ref.shape[0]
    g = pl.program_id(0)
    for j in range(eb):
        _ffn_expert(g * eb + j, offs_ref, xs_ref, swt_ref, w1_ref[j],
                    b1_ref[j], w2_ref[j], b2_ref[j], out_ref, tm=tm)


def _ffn_expert(e, offs_ref, xs_ref, swt_ref, w1, b1, w2, b2, out_ref, *, tm):
    T = xs_ref.shape[0]
    start = offs_ref[e]
    end = offs_ref[e + 1]
    astart = (start // 8) * 8
    nblk = (end - astart + tm - 1) // tm
    w1h = w1.astype(jnp.bfloat16)
    w2h = w2.astype(jnp.bfloat16)
    dn = (((1,), (1,)), ((), ()))

    def body(i, carry):
        sidx = pl.multiple_of(jnp.minimum(astart + i * tm, T - tm), 8)
        xb = xs_ref[pl.ds(sidx, tm), :].astype(jnp.bfloat16)
        h = jax.lax.dot_general(xb, w1h, dn,
                                preferred_element_type=jnp.float32) + b1
        h = _gelu(h)
        hb = h.astype(jnp.bfloat16)
        eo = jax.lax.dot_general(hb, w2h, dn,
                                 preferred_element_type=jnp.float32) + b2
        eo = eo * swt_ref[pl.ds(sidx, tm), 0:1]
        rid = sidx + jax.lax.broadcasted_iota(jnp.int32, (tm, 1), 0)
        mask = (rid >= start) & (rid < end)
        cur = out_ref[pl.ds(sidx, tm), :]
        out_ref[pl.ds(sidx, tm), :] = jnp.where(mask, eo, cur)
        return carry

    jax.lax.fori_loop(0, nblk, body, 0)


_TM = 64
_EB = 2


@jax.jit
def kernel(x, gate_w, w1, b1, w2, b2):
    B, N, C = x.shape
    T = B * N
    E, HID = b1.shape
    flat = x.reshape(T, C)

    pos, wtb, offs128 = pl.pallas_call(
        _router_body,
        out_shape=[
            jax.ShapeDtypeStruct((T, 1), jnp.int32),
            jax.ShapeDtypeStruct((T, 128), jnp.float32),
            jax.ShapeDtypeStruct((1, 128), jnp.int32),
        ],
    )(flat, gate_w)
    offs = offs128.reshape(-1)
    pos1d = pos.reshape(T)

    chunk = T // _SC_WORKERS
    mesh = plsc.VectorSubcoreMesh(core_axis_name="c", subcore_axis_name="s")
    sorted_x, sorted_wtb = pl.kernel(
        functools.partial(_dispatch_sc_body, chunk=chunk),
        out_type=[
            jax.ShapeDtypeStruct((T, C), jnp.float32),
            jax.ShapeDtypeStruct((T, 128), jnp.float32),
        ],
        mesh=mesh,
        scratch_types=[
            pltpu.VMEM((chunk,), jnp.int32),
            pltpu.VMEM((chunk, C), jnp.float32),
            pltpu.VMEM((chunk, 128), jnp.float32),
            pltpu.SemaphoreType.DMA,
        ],
    )(pos1d, flat, wtb)

    combined = pl.pallas_call(
        functools.partial(_ffn_body, tm=_TM, eb=_EB),
        grid_spec=pltpu.PrefetchScalarGridSpec(
            num_scalar_prefetch=1,
            grid=(E // _EB,),
            in_specs=[
                pl.BlockSpec((T, C), lambda e, offs: (0, 0)),
                pl.BlockSpec((T, 128), lambda e, offs: (0, 0)),
                pl.BlockSpec((_EB, HID, C), lambda e, offs: (e, 0, 0)),
                pl.BlockSpec((_EB, 1, HID), lambda e, offs: (e, 0, 0)),
                pl.BlockSpec((_EB, C, HID), lambda e, offs: (e, 0, 0)),
                pl.BlockSpec((_EB, 1, C), lambda e, offs: (e, 0, 0)),
            ],
            out_specs=pl.BlockSpec((T, C), lambda e, offs: (0, 0)),
        ),
        out_shape=jax.ShapeDtypeStruct((T, C), jnp.float32),
    )(offs, sorted_x, sorted_wtb, w1, b1.reshape(E, 1, HID), w2,
      b2.reshape(E, 1, C))

    out = pl.kernel(
        functools.partial(_combine_sc_body, chunk=chunk),
        out_type=jax.ShapeDtypeStruct((T, C), jnp.float32),
        mesh=mesh,
        scratch_types=[
            pltpu.VMEM((chunk,), jnp.int32),
            pltpu.VMEM((chunk, C), jnp.float32),
            pltpu.SemaphoreType.DMA,
        ],
    )(pos1d, combined)
    return out.reshape(B, N, C)

# --- scband reference (transcript-rebuilt; emitter-appended) ---
"""Pipeline reference for scband-mo-effn-83562883711460 (READ-ONLY COPY).

The authoritative reference and input builder live on the scoring server;
editing this copy changes nothing except your own understanding.
"""

import jax, jax.numpy as jnp
import numpy as np

E = 64
DIM = 768
HID = 1024
TOPK = 1


def setup_inputs(seed: int = 0) -> dict:
    key = jax.random.key(seed)
    ks = jax.random.split(key, 6)
    x = jax.random.normal(ks[0], (1, 2048, DIM), dtype=jnp.float32)
    gate_w = jax.random.normal(ks[1], (E, DIM), dtype=jnp.float32) * 0.02
    w1 = jax.random.normal(ks[2], (E, HID, DIM), dtype=jnp.float32) * 0.02
    b1 = jax.random.normal(ks[3], (E, HID), dtype=jnp.float32) * 0.01
    w2 = jax.random.normal(ks[4], (E, DIM, HID), dtype=jnp.float32) * 0.02
    b2 = jax.random.normal(ks[5], (E, DIM), dtype=jnp.float32) * 0.01
    return {"x": x, "gate_w": gate_w, "w1": w1, "b1": b1, "w2": w2, "b2": b2}


def reference(x, gate_w, w1, b1, w2, b2):
    # Eval-mode forward of MoEFFN (no router noise, losses not returned).
    B, N, C = x.shape
    flat = x.reshape(-1, C)
    T = flat.shape[0]
    logits = flat @ gate_w.T
    probs = jax.nn.softmax(logits, axis=-1)
    topv, topi = jax.lax.top_k(probs, TOPK)
    weights = topv / (jnp.sum(topv, axis=-1, keepdims=True) + 1e-08)
    output = jnp.zeros((T, C), dtype=x.dtype)
    for k in range(TOPK):
        idx = topi[:, k]
        wk = weights[:, k]
        expert_out = jnp.zeros_like(flat)
        for e in range(E):
            h = jax.nn.gelu(flat @ w1[e].T + b1[e], approximate=False)
            eo = h @ w2[e].T + b2[e]
            expert_out = jnp.where((idx == e)[:, None], eo, expert_out)
        output = output + expert_out * wk[:, None]
    return output.reshape(B, N, C)

if __name__ == "__main__":
    import jax
    _d = setup_inputs()
    print(jax.jit(kernel)(*tuple(_d.values())))

</pallas_src>

<mosaic_0001>
#map = affine_map<(d0, d1) -> (0)>
#map1 = affine_map<(d0, d1) -> (0, 0)>
module attributes {stable_mosaic.version = 14 : i64} {
  func.func @_combine_sc_body(%arg0: i32, %arg1: i32, %arg2: memref<2048xi32, #tpu.memory_space<hbm>>, %arg3: memref<2048x768xf32, #tpu.memory_space<hbm>>, %arg4: memref<2048x768xf32, #tpu.memory_space<hbm>>, %arg5: memref<64xi32, #tpu.memory_space<vmem>>, %arg6: memref<64x768xf32, #tpu.memory_space<vmem>>, %arg7: memref<!tpu.dma_semaphore, #tpu.memory_space<semaphore_mem>>) attributes {dimension_semantics = [#tpu.dimension_semantics<core_parallel>, #tpu.dimension_semantics<subcore_parallel>], iteration_bounds = array<i64: 2, 16>, scalar_prefetch = 0 : i64, scratch_operands = 3 : i64, tpu.core_type = #tpu.core_type<sc_vector_subcore>, window_params = [{transform_indices = #map}, {transform_indices = #map1}, {transform_indices = #map1}]} {
    %mul3A = arith.constant 2 : i32
    %mul3A_0 = arith.muli %arg1, %mul3A : i32
    %add3A = arith.addi %mul3A_0, %arg0 : i32
    %mul3A_1 = arith.constant 64 : i32
    %mul3A_2 = arith.muli %add3A, %mul3A_1 : i32
    "tpu.region"() ({
      %run_scoped3A = tpu.sem_alloc : memref<!tpu.dma_semaphore, #tpu.memory_space<semaphore_mem>>
      %dma_start3A_7 = tpu.memref_slice %arg2[%mul3A_2] : memref<2048xi32, #tpu.memory_space<hbm>> -> memref<64xi32, #tpu.memory_space<hbm>>
      %dma_start3A_8 = tpu.memref_slice %arg2[%mul3A_2] : memref<2048xi32, #tpu.memory_space<hbm>> -> memref<64xi32, #tpu.memory_space<hbm>>
      tpu.enqueue_dma source(%dma_start3A_8 : memref<64xi32, #tpu.memory_space<hbm>>) target(%arg5 : memref<64xi32, #tpu.memory_space<vmem>>) target_semaphore(%run_scoped3A : memref<!tpu.dma_semaphore, #tpu.memory_space<semaphore_mem>>)
      %dma_wait3A_9 = tpu.memref_slice %arg2[%mul3A_2] : memref<2048xi32, #tpu.memory_space<hbm>> -> memref<64xi32, #tpu.memory_space<hbm>>
      %dma_wait3A_10 = tpu.memref_slice %arg2[%mul3A_2] : memref<2048xi32, #tpu.memory_space<hbm>> -> memref<64xi32, #tpu.memory_space<hbm>>
      tpu.wait_dma2 semaphore(%run_scoped3A : memref<!tpu.dma_semaphore, #tpu.memory_space<semaphore_mem>>) src(%dma_wait3A_10 : memref<64xi32, #tpu.memory_space<hbm>>) dst(%arg5 : memref<64xi32, #tpu.memory_space<vmem>>)
      tpu.yield
    }) : () -> ()
    %dma_start3A = arith.constant 0 : i32
    %dma_start3A_3 = arith.constant 0 : i32
    %dma_start3A_4 = tpu.memref_slice %arg3[%dma_start3A, %dma_start3A_3] : memref<2048x768xf32, #tpu.memory_space<hbm>> -> memref<2048x768xf32, #tpu.memory_space<hbm>>
    tpu.enqueue_indirect_dma source(%dma_start3A_4 : memref<2048x768xf32, #tpu.memory_space<hbm>>) target(%arg6 : memref<64x768xf32, #tpu.memory_space<vmem>>) offsets(%arg5 : memref<64xi32, #tpu.memory_space<vmem>>) semaphore(%arg7 : memref<!tpu.dma_semaphore, #tpu.memory_space<semaphore_mem>>)
    %dma_wait3A = arith.constant 0 : i32
    %dma_wait3A_5 = arith.constant 0 : i32
    %dma_wait3A_6 = tpu.memref_slice %arg3[%dma_wait3A, %dma_wait3A_5] : memref<2048x768xf32, #tpu.memory_space<hbm>> -> memref<2048x768xf32, #tpu.memory_space<hbm>>
    tpu.wait_indirect_dma semaphore(%arg7 : memref<!tpu.dma_semaphore, #tpu.memory_space<semaphore_mem>>) src(%dma_wait3A_6 : memref<2048x768xf32, #tpu.memory_space<hbm>>) dst(%arg6 : memref<64x768xf32, #tpu.memory_space<vmem>>)
    "tpu.region"() ({
      %run_scoped3A = tpu.sem_alloc : memref<!tpu.dma_semaphore, #tpu.memory_space<semaphore_mem>>
      %dma_start3A_7 = arith.constant 0 : i32
      %dma_start3A_8 = tpu.memref_slice %arg4[%mul3A_2, %dma_start3A_7] : memref<2048x768xf32, #tpu.memory_space<hbm>> -> memref<64x768xf32, #tpu.memory_space<hbm>>
      %dma_start3A_9 = arith.constant 0 : i32
      %dma_start3A_10 = tpu.memref_slice %arg4[%mul3A_2, %dma_start3A_9] : memref<2048x768xf32, #tpu.memory_space<hbm>> -> memref<64x768xf32, #tpu.memory_space<hbm>>
      tpu.enqueue_dma source(%arg6 : memref<64x768xf32, #tpu.memory_space<vmem>>) target(%dma_start3A_10 : memref<64x768xf32, #tpu.memory_space<hbm>>) target_semaphore(%run_scoped3A : memref<!tpu.dma_semaphore, #tpu.memory_space<semaphore_mem>>)
      %dma_wait3A_11 = arith.constant 0 : i32
      %dma_wait3A_12 = tpu.memref_slice %arg4[%mul3A_2, %dma_wait3A_11] : memref<2048x768xf32, #tpu.memory_space<hbm>> -> memref<64x768xf32, #tpu.memory_space<hbm>>
      %dma_wait3A_13 = arith.constant 0 : i32
      %dma_wait3A_14 = tpu.memref_slice %arg4[%mul3A_2, %dma_wait3A_13] : memref<2048x768xf32, #tpu.memory_space<hbm>> -> memref<64x768xf32, #tpu.memory_space<hbm>>
      tpu.wait_dma2 semaphore(%run_scoped3A : memref<!tpu.dma_semaphore, #tpu.memory_space<semaphore_mem>>) src(%arg6 : memref<64x768xf32, #tpu.memory_space<vmem>>) dst(%dma_wait3A_14 : memref<64x768xf32, #tpu.memory_space<hbm>>)
      tpu.yield
    }) : () -> ()
    return
  }
}

#map = affine_map<(d0, d1) -> (0)>
#map1 = affine_map<(d0, d1) -> (0, 0)>
module attributes {stable_mosaic.version = 14 : i64} {
  func.func @_dispatch_sc_body(%arg0: i32, %arg1: i32, %arg2: memref<2048xi32, #tpu.memory_space<hbm>>, %arg3: memref<2048x768xf32, #tpu.memory_space<hbm>>, %arg4: memref<2048x128xf32, #tpu.memory_space<hbm>>, %arg5: memref<2048x768xf32, #tpu.memory_space<hbm>>, %arg6: memref<2048x128xf32, #tpu.memory_space<hbm>>, %arg7: memref<64xi32, #tpu.memory_space<vmem>>, %arg8: memref<64x768xf32, #tpu.memory_space<vmem>>, %arg9: memref<64x128xf32, #tpu.memory_space<vmem>>, %arg10: memref<!tpu.dma_semaphore, #tpu.memory_space<semaphore_mem>>) attributes {dimension_semantics = [#tpu.dimension_semantics<core_parallel>, #tpu.dimension_semantics<subcore_parallel>], iteration_bounds = array<i64: 2, 16>, scalar_prefetch = 0 : i64, scratch_operands = 4 : i64, tpu.core_type = #tpu.core_type<sc_vector_subcore>, window_params = [{transform_indices = #map}, {transform_indices = #map1}, {transform_indices = #map1}, {transform_indices = #map1}, {transform_indices = #map1}]} {
    %mul3A = arith.constant 2 : i32
    %mul3A_0 = arith.muli %arg1, %mul3A : i32
    %add3A = arith.addi %mul3A_0, %arg0 : i32
    %mul3A_1 = arith.constant 64 : i32
    %mul3A_2 = arith.muli %add3A, %mul3A_1 : i32
    "tpu.region"() ({
      %run_scoped3A = tpu.sem_alloc : memref<!tpu.dma_semaphore, #tpu.memory_space<semaphore_mem>>
      %dma_start3A_13 = tpu.memref_slice %arg2[%mul3A_2] : memref<2048xi32, #tpu.memory_space<hbm>> -> memref<64xi32, #tpu.memory_space<hbm>>
      %dma_start3A_14 = tpu.memref_slice %arg2[%mul3A_2] : memref<2048xi32, #tpu.memory_space<hbm>> -> memref<64xi32, #tpu.memory_space<hbm>>
      tpu.enqueue_dma source(%dma_start3A_14 : memref<64xi32, #tpu.memory_space<hbm>>) target(%arg7 : memref<64xi32, #tpu.memory_space<vmem>>) target_semaphore(%run_scoped3A : memref<!tpu.dma_semaphore, #tpu.memory_space<semaphore_mem>>)
      %dma_wait3A_15 = tpu.memref_slice %arg2[%mul3A_2] : memref<2048xi32, #tpu.memory_space<hbm>> -> memref<64xi32, #tpu.memory_space<hbm>>
      %dma_wait3A_16 = tpu.memref_slice %arg2[%mul3A_2] : memref<2048xi32, #tpu.memory_space<hbm>> -> memref<64xi32, #tpu.memory_space<hbm>>
      tpu.wait_dma2 semaphore(%run_scoped3A : memref<!tpu.dma_semaphore, #tpu.memory_space<semaphore_mem>>) src(%dma_wait3A_16 : memref<64xi32, #tpu.memory_space<hbm>>) dst(%arg7 : memref<64xi32, #tpu.memory_space<vmem>>)
      tpu.yield
    }) : () -> ()
    "tpu.region"() ({
      %run_scoped3A = tpu.sem_alloc : memref<!tpu.dma_semaphore, #tpu.memory_space<semaphore_mem>>
      %dma_start3A_13 = arith.constant 0 : i32
      %dma_start3A_14 = tpu.memref_slice %arg3[%mul3A_2, %dma_start3A_13] : memref<2048x768xf32, #tpu.memory_space<hbm>> -> memref<64x768xf32, #tpu.memory_space<hbm>>
      %dma_start3A_15 = arith.constant 0 : i32
      %dma_start3A_16 = tpu.memref_slice %arg3[%mul3A_2, %dma_start3A_15] : memref<2048x768xf32, #tpu.memory_space<hbm>> -> memref<64x768xf32, #tpu.memory_space<hbm>>
      tpu.enqueue_dma source(%dma_start3A_16 : memref<64x768xf32, #tpu.memory_space<hbm>>) target(%arg8 : memref<64x768xf32, #tpu.memory_space<vmem>>) target_semaphore(%run_scoped3A : memref<!tpu.dma_semaphore, #tpu.memory_space<semaphore_mem>>)
      %dma_wait3A_17 = arith.constant 0 : i32
      %dma_wait3A_18 = tpu.memref_slice %arg3[%mul3A_2, %dma_wait3A_17] : memref<2048x768xf32, #tpu.memory_space<hbm>> -> memref<64x768xf32, #tpu.memory_space<hbm>>
      %dma_wait3A_19 = arith.constant 0 : i32
      %dma_wait3A_20 = tpu.memref_slice %arg3[%mul3A_2, %dma_wait3A_19] : memref<2048x768xf32, #tpu.memory_space<hbm>> -> memref<64x768xf32, #tpu.memory_space<hbm>>
      tpu.wait_dma2 semaphore(%run_scoped3A : memref<!tpu.dma_semaphore, #tpu.memory_space<semaphore_mem>>) src(%dma_wait3A_20 : memref<64x768xf32, #tpu.memory_space<hbm>>) dst(%arg8 : memref<64x768xf32, #tpu.memory_space<vmem>>)
      tpu.yield
    }) : () -> ()
    "tpu.region"() ({
      %run_scoped3A = tpu.sem_alloc : memref<!tpu.dma_semaphore, #tpu.memory_space<semaphore_mem>>
      %dma_start3A_13 = arith.constant 0 : i32
      %dma_start3A_14 = tpu.memref_slice %arg4[%mul3A_2, %dma_start3A_13] : memref<2048x128xf32, #tpu.memory_space<hbm>> -> memref<64x128xf32, #tpu.memory_space<hbm>>
      %dma_start3A_15 = arith.constant 0 : i32
      %dma_start3A_16 = tpu.memref_slice %arg4[%mul3A_2, %dma_start3A_15] : memref<2048x128xf32, #tpu.memory_space<hbm>> -> memref<64x128xf32, #tpu.memory_space<hbm>>
      tpu.enqueue_dma source(%dma_start3A_16 : memref<64x128xf32, #tpu.memory_space<hbm>>) target(%arg9 : memref<64x128xf32, #tpu.memory_space<vmem>>) target_semaphore(%run_scoped3A : memref<!tpu.dma_semaphore, #tpu.memory_space<semaphore_mem>>)
      %dma_wait3A_17 = arith.constant 0 : i32
      %dma_wait3A_18 = tpu.memref_slice %arg4[%mul3A_2, %dma_wait3A_17] : memref<2048x128xf32, #tpu.memory_space<hbm>> -> memref<64x128xf32, #tpu.memory_space<hbm>>
      %dma_wait3A_19 = arith.constant 0 : i32
      %dma_wait3A_20 = tpu.memref_slice %arg4[%mul3A_2, %dma_wait3A_19] : memref<2048x128xf32, #tpu.memory_space<hbm>> -> memref<64x128xf32, #tpu.memory_space<hbm>>
      tpu.wait_dma2 semaphore(%run_scoped3A : memref<!tpu.dma_semaphore, #tpu.memory_space<semaphore_mem>>) src(%dma_wait3A_20 : memref<64x128xf32, #tpu.memory_space<hbm>>) dst(%arg9 : memref<64x128xf32, #tpu.memory_space<vmem>>)
      tpu.yield
    }) : () -> ()
    %dma_start3A = arith.constant 0 : i32
    %dma_start3A_3 = arith.constant 0 : i32
    %dma_start3A_4 = tpu.memref_slice %arg5[%dma_start3A, %dma_start3A_3] : memref<2048x768xf32, #tpu.memory_space<hbm>> -> memref<2048x768xf32, #tpu.memory_space<hbm>>
    tpu.enqueue_indirect_dma source(%arg8 : memref<64x768xf32, #tpu.memory_space<vmem>>) target(%dma_start3A_4 : memref<2048x768xf32, #tpu.memory_space<hbm>>) offsets(%arg7 : memref<64xi32, #tpu.memory_space<vmem>>) semaphore(%arg10 : memref<!tpu.dma_semaphore, #tpu.memory_space<semaphore_mem>>)
    %dma_wait3A = arith.constant 0 : i32
    %dma_wait3A_5 = arith.constant 0 : i32
    %dma_wait3A_6 = tpu.memref_slice %arg5[%dma_wait3A, %dma_wait3A_5] : memref<2048x768xf32, #tpu.memory_space<hbm>> -> memref<2048x768xf32, #tpu.memory_space<hbm>>
    tpu.wait_indirect_dma semaphore(%arg10 : memref<!tpu.dma_semaphore, #tpu.memory_space<semaphore_mem>>) src(%arg8 : memref<64x768xf32, #tpu.memory_space<vmem>>) dst(%dma_wait3A_6 : memref<2048x768xf32, #tpu.memory_space<hbm>>)
    %dma_start3A_7 = arith.constant 0 : i32
    %dma_start3A_8 = arith.constant 0 : i32
    %dma_start3A_9 = tpu.memref_slice %arg6[%dma_start3A_7, %dma_start3A_8] : memref<2048x128xf32, #tpu.memory_space<hbm>> -> memref<2048x128xf32, #tpu.memory_space<hbm>>
    tpu.enqueue_indirect_dma source(%arg9 : memref<64x128xf32, #tpu.memory_space<vmem>>) target(%dma_start3A_9 : memref<2048x128xf32, #tpu.memory_space<hbm>>) offsets(%arg7 : memref<64xi32, #tpu.memory_space<vmem>>) semaphore(%arg10 : memref<!tpu.dma_semaphore, #tpu.memory_space<semaphore_mem>>)
    %dma_wait3A_10 = arith.constant 0 : i32
    %dma_wait3A_11 = arith.constant 0 : i32
    %dma_wait3A_12 = tpu.memref_slice %arg6[%dma_wait3A_10, %dma_wait3A_11] : memref<2048x128xf32, #tpu.memory_space<hbm>> -> memref<2048x128xf32, #tpu.memory_space<hbm>>
    tpu.wait_indirect_dma semaphore(%arg10 : memref<!tpu.dma_semaphore, #tpu.memory_space<semaphore_mem>>) src(%arg9 : memref<64x128xf32, #tpu.memory_space<vmem>>) dst(%dma_wait3A_12 : memref<2048x128xf32, #tpu.memory_space<hbm>>)
    return
  }
}

module attributes {stable_mosaic.version = 14 : i64} {
  func.func @_router_body(%arg0: memref<2048x768xf32, #tpu.memory_space<vmem>>, %arg1: memref<64x768xf32, #tpu.memory_space<vmem>>, %arg2: memref<2048x1xi32, #tpu.memory_space<vmem>>, %arg3: memref<2048x128xf32, #tpu.memory_space<vmem>>, %arg4: memref<1x128xi32, #tpu.memory_space<vmem>>) attributes {dimension_semantics = [], scalar_prefetch = 0 : i64, scratch_operands = 0 : i64, tpu.core_type = #tpu.core_type<tc>} {
    %get3A = arith.constant 0 : index
    %get3A_0 = arith.constant 0 : index
    %get3A_1 = vector.load %arg0[%get3A, %get3A_0] : memref<2048x768xf32, #tpu.memory_space<vmem>>, vector<2048x768xf32>
    %get3A_2 = arith.constant 0 : index
    %get3A_3 = arith.constant 0 : index
    %get3A_4 = vector.load %arg1[%get3A_2, %get3A_3] : memref<64x768xf32, #tpu.memory_space<vmem>>, vector<64x768xf32>
    %dot_general3A = arith.constant dense<0.000000e+00> : vector<2048x64xf32>
    %dot_general3A_5 = tpu.matmul %get3A_1, %get3A_4, %dot_general3A {dimension_numbers = #tpu.dot_dimension_numbers<[1], [1], [0], [0], [0, 0, 1, 0], [], []>, transpose_lhs_hint = false} : vector<2048x768xf32>, vector<64x768xf32>, vector<2048x64xf32> -> vector<2048x64xf32>
    %reduce_max3A = arith.constant dense<0xFF800000> : vector<2048xf32>
    %reduce_max3A_6 = vector.multi_reduction <maximumf>, %dot_general3A_5, %reduce_max3A [1] : vector<2048x64xf32> to vector<2048xf32>
    %broadcast_in_dim3A = vector.shape_cast %reduce_max3A_6 : vector<2048xf32> to vector<2048x1xf32>
    %sub3A = vector.broadcast %broadcast_in_dim3A : vector<2048x1xf32> to vector<2048x64xf32>
    %sub3A_7 = arith.subf %dot_general3A_5, %sub3A : vector<2048x64xf32>
    %exp3A = math.exp %sub3A_7 : vector<2048x64xf32>
    %reduce_sum3A = arith.constant dense<0.000000e+00> : vector<2048xf32>
    %reduce_sum3A_8 = vector.multi_reduction <add>, %exp3A, %reduce_sum3A [1] : vector<2048x64xf32> to vector<2048xf32>
    %broadcast_in_dim3A_9 = vector.shape_cast %reduce_sum3A_8 : vector<2048xf32> to vector<2048x1xf32>
    %div3A = arith.constant 1.000000e+00 : f32
    %div3A_10 = vector.broadcast %div3A : f32 to vector<2048x1xf32>
    %div3A_11 = arith.divf %div3A_10, %broadcast_in_dim3A_9 : vector<2048x1xf32>
    %add3A = arith.constant 9.99999993E-9 : f32
    %add3A_12 = vector.broadcast %add3A : f32 to vector<2048x1xf32>
    %add3A_13 = arith.addf %div3A_11, %add3A_12 : vector<2048x1xf32>
    %div3A_14 = arith.divf %div3A_11, %add3A_13 : vector<2048x1xf32>
    %iota3A = tpu.iota {dimensions = array<i32: 1>} : vector<2048x64xi32>
    %ge3A = vector.broadcast %broadcast_in_dim3A : vector<2048x1xf32> to vector<2048x64xf32>
    %ge3A_15 = arith.cmpf oge, %dot_general3A_5, %ge3A : vector<2048x64xf32>
    %jit3A = arith.constant 64 : i32
    %broadcast_in_dim3A_16 = vector.broadcast %jit3A : i32 to vector<2048x64xi32>
    %select_n3A = arith.select %ge3A_15, %iota3A, %broadcast_in_dim3A_16 : vector<2048x64xi1>, vector<2048x64xi32>
    %reduce_min3A = arith.constant dense<2147483647> : vector<2048xi32>
    %reduce_min3A_17 = vector.multi_reduction <minsi>, %select_n3A, %reduce_min3A [1] : vector<2048x64xi32> to vector<2048xi32>
    %broadcast_in_dim3A_18 = vector.shape_cast %reduce_min3A_17 : vector<2048xi32> to vector<2048x1xi32>
    %eq3A = vector.broadcast %broadcast_in_dim3A_18 : vector<2048x1xi32> to vector<2048x64xi32>
    %eq3A_19 = arith.cmpi eq, %iota3A, %eq3A : vector<2048x64xi32>
    %convert_element_type3A = arith.extui %eq3A_19 : vector<2048x64xi1> to vector<2048x64xi32>
    %convert_element_type3A_20 = arith.sitofp %convert_element_type3A : vector<2048x64xi32> to vector<2048x64xf32>
    %convert_element_type3A_21 = arith.truncf %convert_element_type3A_20 : vector<2048x64xf32> to vector<2048x64xbf16>
    %iota3A_22 = tpu.iota {dimensions = array<i32: 0>} : vector<128x128xi32>
    %iota3A_23 = tpu.iota {dimensions = array<i32: 1>} : vector<128x128xi32>
    %le3A = arith.cmpi sle, %iota3A_23, %iota3A_22 : vector<128x128xi32>
    %convert_element_type3A_24 = arith.extui %le3A : vector<128x128xi1> to vector<128x128xi32>
    %convert_element_type3A_25 = arith.sitofp %convert_element_type3A_24 : vector<128x128xi32> to vector<128x128xf32>
    %convert_element_type3A_26 = arith.truncf %convert_element_type3A_25 : vector<128x128xf32> to vector<128x128xbf16>
    %slice3A = vector.extract_strided_slice %convert_element_type3A_21 {offsets = [0, 0], sizes = [128, 64], strides = [1, 1]} : vector<2048x64xbf16> to vector<128x64xbf16>
    %dot_general3A_27 = arith.constant dense<0.000000e+00> : vector<128x64xf32>
    %dot_general3A_28 = tpu.matmul %convert_element_type3A_26, %slice3A, %dot_general3A_27 {dimension_numbers = #tpu.dot_dimension_numbers<[1], [0], [0], [1], [0, 0, 1, 1], [], []>, transpose_lhs_hint = false} : vector<128x128xbf16>, vector<128x64xbf16>, vector<128x64xf32> -> vector<128x64xf32>
    %slice3A_29 = vector.extract_strided_slice %convert_element_type3A_21 {offsets = [128, 0], sizes = [128, 64], strides = [1, 1]} : vector<2048x64xbf16> to vector<128x64xbf16>
    %dot_general3A_30 = arith.constant dense<0.000000e+00> : vector<128x64xf32>
    %dot_general3A_31 = tpu.matmul %convert_element_type3A_26, %slice3A_29, %dot_general3A_30 {dimension_numbers = #tpu.dot_dimension_numbers<[1], [0], [0], [1], [0, 0, 1, 1], [], []>, transpose_lhs_hint = false} : vector<128x128xbf16>, vector<128x64xbf16>, vector<128x64xf32> -> vector<128x64xf32>
    %slice3A_32 = vector.extract_strided_slice %convert_element_type3A_21 {offsets = [256, 0], sizes = [128, 64], strides = [1, 1]} : vector<2048x64xbf16> to vector<128x64xbf16>
    %dot_general3A_33 = arith.constant dense<0.000000e+00> : vector<128x64xf32>
    %dot_general3A_34 = tpu.matmul %convert_element_type3A_26, %slice3A_32, %dot_general3A_33 {dimension_numbers = #tpu.dot_dimension_numbers<[1], [0], [0], [1], [0, 0, 1, 1], [], []>, transpose_lhs_hint = false} : vector<128x128xbf16>, vector<128x64xbf16>, vector<128x64xf32> -> vector<128x64xf32>
    %slice3A_35 = vector.extract_strided_slice %convert_element_type3A_21 {offsets = [384, 0], sizes = [128, 64], strides = [1, 1]} : vector<2048x64xbf16> to vector<128x64xbf16>
    %dot_general3A_36 = arith.constant dense<0.000000e+00> : vector<128x64xf32>
    %dot_general3A_37 = tpu.matmul %convert_element_type3A_26, %slice3A_35, %dot_general3A_36 {dimension_numbers = #tpu.dot_dimension_numbers<[1], [0], [0], [1], [0, 0, 1, 1], [], []>, transpose_lhs_hint = false} : vector<128x128xbf16>, vector<128x64xbf16>, vector<128x64xf32> -> vector<128x64xf32>
    %slice3A_38 = vector.extract_strided_slice %convert_element_type3A_21 {offsets = [512, 0], sizes = [128, 64], strides = [1, 1]} : vector<2048x64xbf16> to vector<128x64xbf16>
    %dot_general3A_39 = arith.constant dense<0.000000e+00> : vector<128x64xf32>
    %dot_general3A_40 = tpu.matmul %convert_element_type3A_26, %slice3A_38, %dot_general3A_39 {dimension_numbers = #tpu.dot_dimension_numbers<[1], [0], [0], [1], [0, 0, 1, 1], [], []>, transpose_lhs_hint = false} : vector<128x128xbf16>, vector<128x64xbf16>, vector<128x64xf32> -> vector<128x64xf32>
    %slice3A_41 = vector.extract_strided_slice %convert_element_type3A_21 {offsets = [640, 0], sizes = [128, 64], strides = [1, 1]} : vector<2048x64xbf16> to vector<128x64xbf16>
    %dot_general3A_42 = arith.constant dense<0.000000e+00> : vector<128x64xf32>
    %dot_general3A_43 = tpu.matmul %convert_element_type3A_26, %slice3A_41, %dot_general3A_42 {dimension_numbers = #tpu.dot_dimension_numbers<[1], [0], [0], [1], [0, 0, 1, 1], [], []>, transpose_lhs_hint = false} : vector<128x128xbf16>, vector<128x64xbf16>, vector<128x64xf32> -> vector<128x64xf32>
    %slice3A_44 = vector.extract_strided_slice %convert_element_type3A_21 {offsets = [768, 0], sizes = [128, 64], strides = [1, 1]} : vector<2048x64xbf16> to vector<128x64xbf16>
    %dot_general3A_45 = arith.constant dense<0.000000e+00> : vector<128x64xf32>
    %dot_general3A_46 = tpu.matmul %convert_element_type3A_26, %slice3A_44, %dot_general3A_45 {dimension_numbers = #tpu.dot_dimension_numbers<[1], [0], [0], [1], [0, 0, 1, 1], [], []>, transpose_lhs_hint = false} : vector<128x128xbf16>, vector<128x64xbf16>, vector<128x64xf32> -> vector<128x64xf32>
    %slice3A_47 = vector.extract_strided_slice %convert_element_type3A_21 {offsets = [896, 0], sizes = [128, 64], strides = [1, 1]} : vector<2048x64xbf16> to vector<128x64xbf16>
    %dot_general3A_48 = arith.constant dense<0.000000e+00> : vector<128x64xf32>
    %dot_general3A_49 = tpu.matmul %convert_element_type3A_26, %slice3A_47, %dot_general3A_48 {dimension_numbers = #tpu.dot_dimension_numbers<[1], [0], [0], [1], [0, 0, 1, 1], [], []>, transpose_lhs_hint = false} : vector<128x128xbf16>, vector<128x64xbf16>, vector<128x64xf32> -> vector<128x64xf32>
    %slice3A_50 = vector.extract_strided_slice %convert_element_type3A_21 {offsets = [1024, 0], sizes = [128, 64], strides = [1, 1]} : vector<2048x64xbf16> to vector<128x64xbf16>
    %dot_general3A_51 = arith.constant dense<0.000000e+00> : vector<128x64xf32>
    %dot_general3A_52 = tpu.matmul %convert_element_type3A_26, %slice3A_50, %dot_general3A_51 {dimension_numbers = #tpu.dot_dimension_numbers<[1], [0], [0], [1], [0, 0, 1, 1], [], []>, transpose_lhs_hint = false} : vector<128x128xbf16>, vector<128x64xbf16>, vector<128x64xf32> -> vector<128x64xf32>
    %slice3A_53 = vector.extract_strided_slice %convert_element_type3A_21 {offsets = [1152, 0], sizes = [128, 64], strides = [1, 1]} : vector<2048x64xbf16> to vector<128x64xbf16>
    %dot_general3A_54 = arith.constant dense<0.000000e+00> : vector<128x64xf32>
    %dot_general3A_55 = tpu.matmul %convert_element_type3A_26, %slice3A_53, %dot_general3A_54 {dimension_numbers = #tpu.dot_dimension_numbers<[1], [0], [0], [1], [0, 0, 1, 1], [], []>, transpose_lhs_hint = false} : vector<128x128xbf16>, vector<128x64xbf16>, vector<128x64xf32> -> vector<128x64xf32>
    %slice3A_56 = vector.extract_strided_slice %convert_element_type3A_21 {offsets = [1280, 0], sizes = [128, 64], strides = [1, 1]} : vector<2048x64xbf16> to vector<128x64xbf16>
    %dot_general3A_57 = arith.constant dense<0.000000e+00> : vector<128x64xf32>
    %dot_general3A_58 = tpu.matmul %convert_element_type3A_26, %slice3A_56, %dot_general3A_57 {dimension_numbers = #tpu.dot_dimension_numbers<[1], [0], [0], [1], [0, 0, 1, 1], [], []>, transpose_lhs_hint = false} : vector<128x128xbf16>, vector<128x64xbf16>, vector<128x64xf32> -> vector<128x64xf32>
    %slice3A_59 = vector.extract_strided_slice %convert_element_type3A_21 {offsets = [1408, 0], sizes = [128, 64], strides = [1, 1]} : vector<2048x64xbf16> to vector<128x64xbf16>
    %dot_general3A_60 = arith.constant dense<0.000000e+00> : vector<128x64xf32>
    %dot_general3A_61 = tpu.matmul %convert_element_type3A_26, %slice3A_59, %dot_general3A_60 {dimension_numbers = #tpu.dot_dimension_numbers<[1], [0], [0], [1], [0, 0, 1, 1], [], []>, transpose_lhs_hint = false} : vector<128x128xbf16>, vector<128x64xbf16>, vector<128x64xf32> -> vector<128x64xf32>
    %slice3A_62 = vector.extract_strided_slice %convert_element_type3A_21 {offsets = [1536, 0], sizes = [128, 64], strides = [1, 1]} : vector<2048x64xbf16> to vector<128x64xbf16>
    %dot_general3A_63 = arith.constant dense<0.000000e+00> : vector<128x64xf32>
    %dot_general3A_64 = tpu.matmul %convert_element_type3A_26, %slice3A_62, %dot_general3A_63 {dimension_numbers = #tpu.dot_dimension_numbers<[1], [0], [0], [1], [0, 0, 1, 1], [], []>, transpose_lhs_hint = false} : vector<128x128xbf16>, vector<128x64xbf16>, vector<128x64xf32> -> vector<128x64xf32>
    %slice3A_65 = vector.extract_strided_slice %convert_element_type3A_21 {offsets = [1664, 0], sizes = [128, 64], strides = [1, 1]} : vector<2048x64xbf16> to vector<128x64xbf16>
    %dot_general3A_66 = arith.constant dense<0.000000e+00> : vector<128x64xf32>
    %dot_general3A_67 = tpu.matmul %convert_element_type3A_26, %slice3A_65, %dot_general3A_66 {dimension_numbers = #tpu.dot_dimension_numbers<[1], [0], [0], [1], [0, 0, 1, 1], [], []>, transpose_lhs_hint = false} : vector<128x128xbf16>, vector<128x64xbf16>, vector<128x64xf32> -> vector<128x64xf32>
    %slice3A_68 = vector.extract_strided_slice %convert_element_type3A_21 {offsets = [1792, 0], sizes = [128, 64], strides = [1, 1]} : vector<2048x64xbf16> to vector<128x64xbf16>
    %dot_general3A_69 = arith.constant dense<0.000000e+00> : vector<128x64xf32>
    %dot_general3A_70 = tpu.matmul %convert_element_type3A_26, %slice3A_68, %dot_general3A_69 {dimension_numbers = #tpu.dot_dimension_numbers<[1], [0], [0], [1], [0, 0, 1, 1], [], []>, transpose_lhs_hint = false} : vector<128x128xbf16>, vector<128x64xbf16>, vector<128x64xf32> -> vector<128x64xf32>
    %slice3A_71 = vector.extract_strided_slice %convert_element_type3A_21 {offsets = [1920, 0], sizes = [128, 64], strides = [1, 1]} : vector<2048x64xbf16> to vector<128x64xbf16>
    %dot_general3A_72 = arith.constant dense<0.000000e+00> : vector<128x64xf32>
    %dot_general3A_73 = tpu.matmul %convert_element_type3A_26, %slice3A_71, %dot_general3A_72 {dimension_numbers = #tpu.dot_dimension_numbers<[1], [0], [0], [1], [0, 0, 1, 1], [], []>, transpose_lhs_hint = false} : vector<128x128xbf16>, vector<128x64xbf16>, vector<128x64xf32> -> vector<128x64xf32>
    %slice3A_74 = vector.extract_strided_slice %dot_general3A_28 {offsets = [127, 0], sizes = [1, 64], strides = [1, 1]} : vector<128x64xf32> to vector<1x64xf32>
    %slice3A_75 = vector.extract_strided_slice %dot_general3A_31 {offsets = [127, 0], sizes = [1, 64], strides = [1, 1]} : vector<128x64xf32> to vector<1x64xf32>
    %slice3A_76 = vector.extract_strided_slice %dot_general3A_34 {offsets = [127, 0], sizes = [1, 64], strides = [1, 1]} : vector<128x64xf32> to vector<1x64xf32>
    %slice3A_77 = vector.extract_strided_slice %dot_general3A_37 {offsets = [127, 0], sizes = [1, 64], strides = [1, 1]} : vector<128x64xf32> to vector<1x64xf32>
    %slice3A_78 = vector.extract_strided_slice %dot_general3A_40 {offsets = [127, 0], sizes = [1, 64], strides = [1, 1]} : vector<128x64xf32> to vector<1x64xf32>
    %slice3A_79 = vector.extract_strided_slice %dot_general3A_43 {offsets = [127, 0], sizes = [1, 64], strides = [1, 1]} : vector<128x64xf32> to vector<1x64xf32>
    %slice3A_80 = vector.extract_strided_slice %dot_general3A_46 {offsets = [127, 0], sizes = [1, 64], strides = [1, 1]} : vector<128x64xf32> to vector<1x64xf32>
    %slice3A_81 = vector.extract_strided_slice %dot_general3A_49 {offsets = [127, 0], sizes = [1, 64], strides = [1, 1]} : vector<128x64xf32> to vector<1x64xf32>
    %slice3A_82 = vector.extract_strided_slice %dot_general3A_52 {offsets = [127, 0], sizes = [1, 64], strides = [1, 1]} : vector<128x64xf32> to vector<1x64xf32>
    %slice3A_83 = vector.extract_strided_slice %dot_general3A_55 {offsets = [127, 0], sizes = [1, 64], strides = [1, 1]} : vector<128x64xf32> to vector<1x64xf32>
    %slice3A_84 = vector.extract_strided_slice %dot_general3A_58 {offsets = [127, 0], sizes = [1, 64], strides = [1, 1]} : vector<128x64xf32> to vector<1x64xf32>
    %slice3A_85 = vector.extract_strided_slice %dot_general3A_61 {offsets = [127, 0], sizes = [1, 64], strides = [1, 1]} : vector<128x64xf32> to vector<1x64xf32>
    %slice3A_86 = vector.extract_strided_slice %dot_general3A_64 {offsets = [127, 0], sizes = [1, 64], strides = [1, 1]} : vector<128x64xf32> to vector<1x64xf32>
    %slice3A_87 = vector.extract_strided_slice %dot_general3A_67 {offsets = [127, 0], sizes = [1, 64], strides = [1, 1]} : vector<128x64xf32> to vector<1x64xf32>
    %slice3A_88 = vector.extract_strided_slice %dot_general3A_70 {offsets = [127, 0], sizes = [1, 64], strides = [1, 1]} : vector<128x64xf32> to vector<1x64xf32>
    %slice3A_89 = vector.extract_strided_slice %dot_general3A_73 {offsets = [127, 0], sizes = [1, 64], strides = [1, 1]} : vector<128x64xf32> to vector<1x64xf32>
    %concatenate3A = tpu.concatenate %slice3A_74, %slice3A_75, %slice3A_76, %slice3A_77, %slice3A_78, %slice3A_79, %slice3A_80, %slice3A_81, %slice3A_82, %slice3A_83, %slice3A_84, %slice3A_85, %slice3A_86, %slice3A_87, %slice3A_88, %slice3A_89 in 0 : vector<1x64xf32>, vector<1x64xf32>, vector<1x64xf32>, vector<1x64xf32>, vector<1x64xf32>, vector<1x64xf32>, vector<1x64xf32>, vector<1x64xf32>, vector<1x64xf32>, vector<1x64xf32>, vector<1x64xf32>, vector<1x64xf32>, vector<1x64xf32>, vector<1x64xf32>, vector<1x64xf32>, vector<1x64xf32> -> vector<16x64xf32>
    %iota3A_90 = tpu.iota {dimensions = array<i32: 0>} : vector<16x16xi32>
    %iota3A_91 = tpu.iota {dimensions = array<i32: 1>} : vector<16x16xi32>
    %lt3A = arith.cmpi slt, %iota3A_90, %iota3A_91 : vector<16x16xi32>
    %convert_element_type3A_92 = arith.extui %lt3A : vector<16x16xi1> to vector<16x16xi32>
    %convert_element_type3A_93 = arith.sitofp %convert_element_type3A_92 : vector<16x16xi32> to vector<16x16xf32>
    %dot_general3A_94 = arith.constant dense<0.000000e+00> : vector<16x64xf32>
    %dot_general3A_95 = tpu.matmul %convert_element_type3A_93, %concatenate3A, %dot_general3A_94 {dimension_numbers = #tpu.dot_dimension_numbers<[0], [0], [1], [1], [0, 1, 1, 1], [], []>, precision = #tpu.contract_precision<fp32>, transpose_lhs_hint = false} : vector<16x16xf32>, vector<16x64xf32>, vector<16x64xf32> -> vector<16x64xf32>
    %slice3A_96 = vector.extract_strided_slice %dot_general3A_95 {offsets = [15, 0], sizes = [1, 64], strides = [1, 1]} : vector<16x64xf32> to vector<1x64xf32>
    %slice3A_97 = vector.extract_strided_slice %concatenate3A {offsets = [15, 0], sizes = [1, 64], strides = [1, 1]} : vector<16x64xf32> to vector<1x64xf32>
    %add3A_98 = arith.addf %slice3A_96, %slice3A_97 : vector<1x64xf32>
    %iota3A_99 = tpu.iota {dimensions = array<i32: 0>} : vector<64x64xi32>
    %iota3A_100 = tpu.iota {dimensions = array<i32: 1>} : vector<64x64xi32>
    %lt3A_101 = arith.cmpi slt, %iota3A_99, %iota3A_100 : vector<64x64xi32>
    %convert_element_type3A_102 = arith.extui %lt3A_101 : vector<64x64xi1> to vector<64x64xi32>
    %convert_element_type3A_103 = arith.sitofp %convert_element_type3A_102 : vector<64x64xi32> to vector<64x64xf32>
    %dot_general3A_104 = arith.constant dense<0.000000e+00> : vector<1x64xf32>
    %dot_general3A_105 = tpu.matmul %add3A_98, %convert_element_type3A_103, %dot_general3A_104 {dimension_numbers = #tpu.dot_dimension_numbers<[1], [0], [0], [1], [0, 0, 1, 1], [], []>, precision = #tpu.contract_precision<fp32>, transpose_lhs_hint = false} : vector<1x64xf32>, vector<64x64xf32>, vector<1x64xf32> -> vector<1x64xf32>
    %convert_element_type3A_106 = arith.extf %convert_element_type3A_21 : vector<2048x64xbf16> to vector<2048x64xf32>
    %slice3A_107 = vector.extract_strided_slice %dot_general3A_95 {offsets = [0, 0], sizes = [1, 64], strides = [1, 1]} : vector<16x64xf32> to vector<1x64xf32>
    %add3A_108 = vector.broadcast %slice3A_107 : vector<1x64xf32> to vector<128x64xf32>
    %add3A_109 = arith.addf %dot_general3A_28, %add3A_108 : vector<128x64xf32>
    %slice3A_110 = vector.extract_strided_slice %dot_general3A_95 {offsets = [1, 0], sizes = [1, 64], strides = [1, 1]} : vector<16x64xf32> to vector<1x64xf32>
    %add3A_111 = vector.broadcast %slice3A_110 : vector<1x64xf32> to vector<128x64xf32>
    %add3A_112 = arith.addf %dot_general3A_31, %add3A_111 : vector<128x64xf32>
    %slice3A_113 = vector.extract_strided_slice %dot_general3A_95 {offsets = [2, 0], sizes = [1, 64], strides = [1, 1]} : vector<16x64xf32> to vector<1x64xf32>
    %add3A_114 = vector.broadcast %slice3A_113 : vector<1x64xf32> to vector<128x64xf32>
    %add3A_115 = arith.addf %dot_general3A_34, %add3A_114 : vector<128x64xf32>
    %slice3A_116 = vector.extract_strided_slice %dot_general3A_95 {offsets = [3, 0], sizes = [1, 64], strides = [1, 1]} : vector<16x64xf32> to vector<1x64xf32>
    %add3A_117 = vector.broadcast %slice3A_116 : vector<1x64xf32> to vector<128x64xf32>
    %add3A_118 = arith.addf %dot_general3A_37, %add3A_117 : vector<128x64xf32>
    %slice3A_119 = vector.extract_strided_slice %dot_general3A_95 {offsets = [4, 0], sizes = [1, 64], strides = [1, 1]} : vector<16x64xf32> to vector<1x64xf32>
    %add3A_120 = vector.broadcast %slice3A_119 : vector<1x64xf32> to vector<128x64xf32>
    %add3A_121 = arith.addf %dot_general3A_40, %add3A_120 : vector<128x64xf32>
    %slice3A_122 = vector.extract_strided_slice %dot_general3A_95 {offsets = [5, 0], sizes = [1, 64], strides = [1, 1]} : vector<16x64xf32> to vector<1x64xf32>
    %add3A_123 = vector.broadcast %slice3A_122 : vector<1x64xf32> to vector<128x64xf32>
    %add3A_124 = arith.addf %dot_general3A_43, %add3A_123 : vector<128x64xf32>
    %slice3A_125 = vector.extract_strided_slice %dot_general3A_95 {offsets = [6, 0], sizes = [1, 64], strides = [1, 1]} : vector<16x64xf32> to vector<1x64xf32>
    %add3A_126 = vector.broadcast %slice3A_125 : vector<1x64xf32> to vector<128x64xf32>
    %add3A_127 = arith.addf %dot_general3A_46, %add3A_126 : vector<128x64xf32>
    %slice3A_128 = vector.extract_strided_slice %dot_general3A_95 {offsets = [7, 0], sizes = [1, 64], strides = [1, 1]} : vector<16x64xf32> to vector<1x64xf32>
    %add3A_129 = vector.broadcast %slice3A_128 : vector<1x64xf32> to vector<128x64xf32>
    %add3A_130 = arith.addf %dot_general3A_49, %add3A_129 : vector<128x64xf32>
    %slice3A_131 = vector.extract_strided_slice %dot_general3A_95 {offsets = [8, 0], sizes = [1, 64], strides = [1, 1]} : vector<16x64xf32> to vector<1x64xf32>
    %add3A_132 = vector.broadcast %slice3A_131 : vector<1x64xf32> to vector<128x64xf32>
    %add3A_133 = arith.addf %dot_general3A_52, %add3A_132 : vector<128x64xf32>
    %slice3A_134 = vector.extract_strided_slice %dot_general3A_95 {offsets = [9, 0], sizes = [1, 64], strides = [1, 1]} : vector<16x64xf32> to vector<1x64xf32>
    %add3A_135 = vector.broadcast %slice3A_134 : vector<1x64xf32> to vector<128x64xf32>
    %add3A_136 = arith.addf %dot_general3A_55, %add3A_135 : vector<128x64xf32>
    %slice3A_137 = vector.extract_strided_slice %dot_general3A_95 {offsets = [10, 0], sizes = [1, 64], strides = [1, 1]} : vector<16x64xf32> to vector<1x64xf32>
    %add3A_138 = vector.broadcast %slice3A_137 : vector<1x64xf32> to vector<128x64xf32>
    %add3A_139 = arith.addf %dot_general3A_58, %add3A_138 : vector<128x64xf32>
    %slice3A_140 = vector.extract_strided_slice %dot_general3A_95 {offsets = [11, 0], sizes = [1, 64], strides = [1, 1]} : vector<16x64xf32> to vector<1x64xf32>
    %add3A_141 = vector.broadcast %slice3A_140 : vector<1x64xf32> to vector<128x64xf32>
    %add3A_142 = arith.addf %dot_general3A_61, %add3A_141 : vector<128x64xf32>
    %slice3A_143 = vector.extract_strided_slice %dot_general3A_95 {offsets = [12, 0], sizes = [1, 64], strides = [1, 1]} : vector<16x64xf32> to vector<1x64xf32>
    %add3A_144 = vector.broadcast %slice3A_143 : vector<1x64xf32> to vector<128x64xf32>
    %add3A_145 = arith.addf %dot_general3A_64, %add3A_144 : vector<128x64xf32>
    %slice3A_146 = vector.extract_strided_slice %dot_general3A_95 {offsets = [13, 0], sizes = [1, 64], strides = [1, 1]} : vector<16x64xf32> to vector<1x64xf32>
    %add3A_147 = vector.broadcast %slice3A_146 : vector<1x64xf32> to vector<128x64xf32>
    %add3A_148 = arith.addf %dot_general3A_67, %add3A_147 : vector<128x64xf32>
    %slice3A_149 = vector.extract_strided_slice %dot_general3A_95 {offsets = [14, 0], sizes = [1, 64], strides = [1, 1]} : vector<16x64xf32> to vector<1x64xf32>
    %add3A_150 = vector.broadcast %slice3A_149 : vector<1x64xf32> to vector<128x64xf32>
    %add3A_151 = arith.addf %dot_general3A_70, %add3A_150 : vector<128x64xf32>
    %slice3A_152 = vector.extract_strided_slice %dot_general3A_95 {offsets = [15, 0], sizes = [1, 64], strides = [1, 1]} : vector<16x64xf32> to vector<1x64xf32>
    %add3A_153 = vector.broadcast %slice3A_152 : vector<1x64xf32> to vector<128x64xf32>
    %add3A_154 = arith.addf %dot_general3A_73, %add3A_153 : vector<128x64xf32>
    %concatenate3A_155 = tpu.concatenate %add3A_109, %add3A_112, %add3A_115, %add3A_118, %add3A_121, %add3A_124, %add3A_127, %add3A_130, %add3A_133, %add3A_136, %add3A_139, %add3A_142, %add3A_145, %add3A_148, %add3A_151, %add3A_154 in 0 : vector<128x64xf32>, vector<128x64xf32>, vector<128x64xf32>, vector<128x64xf32>, vector<128x64xf32>, vector<128x64xf32>, vector<128x64xf32>, vector<128x64xf32>, vector<128x64xf32>, vector<128x64xf32>, vector<128x64xf32>, vector<128x64xf32>, vector<128x64xf32>, vector<128x64xf32>, vector<128x64xf32>, vector<128x64xf32> -> vector<2048x64xf32>
    %add3A_156 = vector.broadcast %dot_general3A_105 : vector<1x64xf32> to vector<2048x64xf32>
    %add3A_157 = arith.addf %add3A_156, %concatenate3A_155 : vector<2048x64xf32>
    %sub3A_158 = arith.constant 1.000000e+00 : f32
    %sub3A_159 = vector.broadcast %sub3A_158 : f32 to vector<2048x64xf32>
    %sub3A_160 = arith.subf %add3A_157, %sub3A_159 : vector<2048x64xf32>
    %mul3A = arith.mulf %convert_element_type3A_106, %sub3A_160 : vector<2048x64xf32>
    %reduce_sum3A_161 = arith.constant dense<0.000000e+00> : vector<2048xf32>
    %reduce_sum3A_162 = vector.multi_reduction <add>, %mul3A, %reduce_sum3A_161 [1] : vector<2048x64xf32> to vector<2048xf32>
    %broadcast_in_dim3A_163 = vector.shape_cast %reduce_sum3A_162 : vector<2048xf32> to vector<2048x1xf32>
    %convert_element_type3A_164 = arith.fptosi %broadcast_in_dim3A_163 : vector<2048x1xf32> to vector<2048x1xi32>
    %swap3A = arith.constant 0 : index
    %swap3A_165 = arith.constant 0 : index
    %swap3A_166 = vector.load %arg2[%swap3A, %swap3A_165] : memref<2048x1xi32, #tpu.memory_space<vmem>>, vector<2048x1xi32>
    tpu.vector_store %arg2[%swap3A, %swap3A_165], %convert_element_type3A_164 {strides = array<i32>} : memref<2048x1xi32, #tpu.memory_space<vmem>>, vector<2048x1xi32>,
    %broadcast_in_dim3A_167 = vector.shape_cast %div3A_14 : vector<2048x1xf32> to vector<2048x1xf32>
    %broadcast_in_dim3A_168 = vector.broadcast %broadcast_in_dim3A_167 : vector<2048x1xf32> to vector<2048x128xf32>
    %swap3A_169 = arith.constant 0 : index
    %swap3A_170 = arith.constant 0 : index
    %swap3A_171 = vector.load %arg3[%swap3A_169, %swap3A_170] : memref<2048x128xf32, #tpu.memory_space<vmem>>, vector<2048x128xf32>
    tpu.vector_store %arg3[%swap3A_169, %swap3A_170], %broadcast_in_dim3A_168 {strides = array<i32>} : memref<2048x128xf32, #tpu.memory_space<vmem>>, vector<2048x128xf32>,
    %convert_element_type3A_172 = arith.fptosi %dot_general3A_105 : vector<1x64xf32> to vector<1x64xi32>
    %broadcast_in_dim3A_173 = arith.constant 2048 : i32
    %broadcast_in_dim3A_174 = vector.broadcast %broadcast_in_dim3A_173 : i32 to vector<1x64xi32>
    %concatenate3A_175 = tpu.concatenate %convert_element_type3A_172, %broadcast_in_dim3A_174 in 1 : vector<1x64xi32>, vector<1x64xi32> -> vector<1x128xi32>
    %swap3A_176 = arith.constant 0 : index
    %swap3A_177 = arith.constant 0 : index
    %swap3A_178 = vector.load %arg4[%swap3A_176, %swap3A_177] : memref<1x128xi32, #tpu.memory_space<vmem>>, vector<1x128xi32>
    tpu.vector_store %arg4[%swap3A_176, %swap3A_177], %concatenate3A_175 {strides = array<i32>} : memref<1x128xi32, #tpu.memory_space<vmem>>, vector<1x128xi32>,
    return
  }
}

module attributes {stable_mosaic.version = 14 : i64} {
  func.func @_ffn_body(%arg0: i32, %arg1: memref<128xi32, #tpu.memory_space<smem>>, %arg2: memref<2048x768xf32, #tpu.memory_space<vmem>>, %arg3: memref<2048x128xf32, #tpu.memory_space<vmem>>, %arg4: memref<2x1024x768xf32, #tpu.memory_space<vmem>>, %arg5: memref<2x1x1024xf32, #tpu.memory_space<vmem>>, %arg6: memref<2x768x1024xf32, #tpu.memory_space<vmem>>, %arg7: memref<2x1x768xf32, #tpu.memory_space<vmem>>, %arg8: memref<2048x768xf32, #tpu.memory_space<vmem>>) attributes {dimension_semantics = [#tpu.dimension_semantics<arbitrary>], iteration_bounds = array<i64: 32>, scalar_prefetch = 1 : i64, scratch_operands = 0 : i64, tpu.core_type = #tpu.core_type<tc>, window_params = [{pipeline_mode = #tpu.pipeline_mode<synchronous>, transform_indices = @transform_0, window_bounds = array<i64: 2048, 768>}, {pipeline_mode = #tpu.pipeline_mode<synchronous>, transform_indices = @transform_1, window_bounds = array<i64: 2048, 128>}, {transform_indices = @transform_2, window_bounds = array<i64: 2, 1024, 768>}, {transform_indices = @transform_3, window_bounds = array<i64: 2, 1, 1024>}, {transform_indices = @transform_4, window_bounds = array<i64: 2, 768, 1024>}, {transform_indices = @transform_5, window_bounds = array<i64: 2, 1, 768>}, {pipeline_mode = #tpu.pipeline_mode<synchronous>, transform_indices = @transform_6, window_bounds = array<i64: 2048, 768>}]} {
    %mul3A = arith.constant 2 : i32
    %mul3A_0 = arith.muli %arg0, %mul3A : i32
    %add3A = arith.constant 0 : i32
    %add3A_1 = arith.addi %mul3A_0, %add3A : i32
    %get3A = arith.constant 0 : index
    %get3A_2 = arith.constant 0 : index
    %get3A_3 = arith.constant 0 : index
    %get3A_4 = vector.load %arg4[%get3A, %get3A_2, %get3A_3] : memref<2x1024x768xf32, #tpu.memory_space<vmem>>, vector<1x1024x768xf32>
    %get3A_5 = vector.shape_cast %get3A_4 : vector<1x1024x768xf32> to vector<1024x768xf32>
    %get3A_6 = arith.constant 0 : index
    %get3A_7 = arith.constant 0 : index
    %get3A_8 = arith.constant 0 : index
    %get3A_9 = vector.load %arg5[%get3A_6, %get3A_7, %get3A_8] : memref<2x1x1024xf32, #tpu.memory_space<vmem>>, vector<1x1x1024xf32>
    %get3A_10 = vector.shape_cast %get3A_9 : vector<1x1x1024xf32> to vector<1x1024xf32>
    %get3A_11 = arith.constant 0 : index
    %get3A_12 = arith.constant 0 : index
    %get3A_13 = arith.constant 0 : index
    %get3A_14 = vector.load %arg6[%get3A_11, %get3A_12, %get3A_13] : memref<2x768x1024xf32, #tpu.memory_space<vmem>>, vector<1x768x1024xf32>
    %get3A_15 = vector.shape_cast %get3A_14 : vector<1x768x1024xf32> to vector<768x1024xf32>
    %get3A_16 = arith.constant 0 : index
    %get3A_17 = arith.constant 0 : index
    %get3A_18 = arith.constant 0 : index
    %get3A_19 = vector.load %arg7[%get3A_16, %get3A_17, %get3A_18] : memref<2x1x768xf32, #tpu.memory_space<vmem>>, vector<1x1x768xf32>
    %get3A_20 = vector.shape_cast %get3A_19 : vector<1x1x768xf32> to vector<1x768xf32>
    %get3A_21 = arith.index_cast %add3A_1 : i32 to index
    %get3A_22 = memref.load %arg1[%get3A_21] : memref<128xi32, #tpu.memory_space<smem>>
    %add3A_23 = arith.constant 1 : i32
    %add3A_24 = arith.addi %add3A_1, %add3A_23 : i32
    %get3A_25 = arith.index_cast %add3A_24 : i32 to index
    %get3A_26 = memref.load %arg1[%get3A_25] : memref<128xi32, #tpu.memory_space<smem>>
    %jit3A = arith.constant 8 : i32
    %div3A = arith.divsi %get3A_22, %jit3A : i32
    %sign3A = arith.constant 0 : i32
    %sign3A_27 = arith.cmpi sgt, %get3A_22, %sign3A : i32
    %sign3A_28 = arith.extui %sign3A_27 : i1 to i32
    %sign3A_29 = arith.constant 0 : i32
    %sign3A_30 = arith.cmpi slt, %get3A_22, %sign3A_29 : i32
    %sign3A_31 = arith.extui %sign3A_30 : i1 to i32
    %sign3A_32 = arith.subi %sign3A_28, %sign3A_31 : i32
    %sign3A_33 = arith.constant 0 : i32
    %sign3A_34 = arith.cmpi sgt, %jit3A, %sign3A_33 : i32
    %sign3A_35 = arith.extui %sign3A_34 : i1 to i32
    %sign3A_36 = arith.constant 0 : i32
    %sign3A_37 = arith.cmpi slt, %jit3A, %sign3A_36 : i32
    %sign3A_38 = arith.extui %sign3A_37 : i1 to i32
    %sign3A_39 = arith.subi %sign3A_35, %sign3A_38 : i32
    %ne3A = arith.cmpi ne, %sign3A_32, %sign3A_39 : i32
    %rem3A = arith.remsi %get3A_22, %jit3A : i32
    %ne3A_40 = arith.constant 0 : i32
    %ne3A_41 = arith.cmpi ne, %rem3A, %ne3A_40 : i32
    %and3A = arith.andi %ne3A, %ne3A_41 : i1
    %sub3A = arith.constant 1 : i32
    %sub3A_42 = arith.subi %div3A, %sub3A : i32
    %select_n3A = arith.select %and3A, %sub3A_42, %div3A : i32
    %mul3A_43 = arith.constant 8 : i32
    %mul3A_44 = arith.muli %select_n3A, %mul3A_43 : i32
    %sub3A_45 = arith.subi %get3A_26, %mul3A_44 : i32
    %add3A_46 = arith.constant 64 : i32
    %add3A_47 = arith.addi %sub3A_45, %add3A_46 : i32
    %sub3A_48 = arith.constant 1 : i32
    %sub3A_49 = arith.subi %add3A_47, %sub3A_48 : i32
    %jit3A_50 = arith.constant 64 : i32
    %div3A_51 = arith.divsi %sub3A_49, %jit3A_50 : i32
    %sign3A_52 = arith.constant 0 : i32
    %sign3A_53 = arith.cmpi sgt, %sub3A_49, %sign3A_52 : i32
    %sign3A_54 = arith.extui %sign3A_53 : i1 to i32
    %sign3A_55 = arith.constant 0 : i32
    %sign3A_56 = arith.cmpi slt, %sub3A_49, %sign3A_55 : i32
    %sign3A_57 = arith.extui %sign3A_56 : i1 to i32
    %sign3A_58 = arith.subi %sign3A_54, %sign3A_57 : i32
    %sign3A_59 = arith.constant 0 : i32
    %sign3A_60 = arith.cmpi sgt, %jit3A_50, %sign3A_59 : i32
    %sign3A_61 = arith.extui %sign3A_60 : i1 to i32
    %sign3A_62 = arith.constant 0 : i32
    %sign3A_63 = arith.cmpi slt, %jit3A_50, %sign3A_62 : i32
    %sign3A_64 = arith.extui %sign3A_63 : i1 to i32
    %sign3A_65 = arith.subi %sign3A_61, %sign3A_64 : i32
    %ne3A_66 = arith.cmpi ne, %sign3A_58, %sign3A_65 : i32
    %rem3A_67 = arith.remsi %sub3A_49, %jit3A_50 : i32
    %ne3A_68 = arith.constant 0 : i32
    %ne3A_69 = arith.cmpi ne, %rem3A_67, %ne3A_68 : i32
    %and3A_70 = arith.andi %ne3A_66, %ne3A_69 : i1
    %sub3A_71 = arith.constant 1 : i32
    %sub3A_72 = arith.subi %div3A_51, %sub3A_71 : i32
    %select_n3A_73 = arith.select %and3A_70, %sub3A_72, %div3A_51 : i32
    %convert_element_type3A = arith.truncf %get3A_5 : vector<1024x768xf32> to vector<1024x768xbf16>
    %convert_element_type3A_74 = arith.truncf %get3A_15 : vector<768x1024xf32> to vector<768x1024xbf16>
    %while3A = arith.constant 0 : i32
    %while3A_75 = arith.constant 0 : i32
    %while3A_76 = arith.subi %select_n3A_73, %while3A_75 : i32
    %while3A_77 = arith.addi %while3A_75, %while3A_76 : i32
    %while3A_78 = arith.constant 1 : i32
    %while3A_79 = arith.divsi %while3A_76, %while3A_78 : i32
    %while3A_80 = arith.muli %while3A_79, %while3A_78 : i32
    %while3A_81 = arith.addi %while3A_75, %while3A_80 : i32
    %while3A_82 = arith.constant 1 : i32
    scf.for %while3A_181 = %while3A_75 to %while3A_81 step %while3A_82  : i32 {
      %mul3A_182 = arith.constant 64 : i32
      %mul3A_183 = arith.muli %while3A_181, %mul3A_182 : i32
      %add3A_184 = arith.addi %mul3A_44, %mul3A_183 : i32
      %min3A = arith.constant 1984 : i32
      %min3A_185 = arith.minsi %add3A_184, %min3A : i32
      %multiple_of3A = tpu.assume_multiple %min3A_185, 8 : i32
      %get3A_186 = arith.index_cast %multiple_of3A : i32 to index
      %get3A_187 = arith.constant 0 : index
      %get3A_188 = vector.load %arg2[%get3A_186, %get3A_187] : memref<2048x768xf32, #tpu.memory_space<vmem>>, vector<64x768xf32>
      %convert_element_type3A_189 = arith.truncf %get3A_188 : vector<64x768xf32> to vector<64x768xbf16>
      %dot_general3A = arith.constant dense<0.000000e+00> : vector<64x1024xf32>
      %dot_general3A_190 = tpu.matmul %convert_element_type3A_189, %convert_element_type3A, %dot_general3A {dimension_numbers = #tpu.dot_dimension_numbers<[1], [1], [0], [0], [0, 0, 1, 0], [], []>, transpose_lhs_hint = false} : vector<64x768xbf16>, vector<1024x768xbf16>, vector<64x1024xf32> -> vector<64x1024xf32>
      %add3A_191 = vector.broadcast %get3A_10 : vector<1x1024xf32> to vector<64x1024xf32>
      %add3A_192 = arith.addf %dot_general3A_190, %add3A_191 : vector<64x1024xf32>
      %mul3A_193 = arith.constant 5.000000e-01 : f32
      %mul3A_194 = vector.broadcast %mul3A_193 : f32 to vector<64x1024xf32>
      %mul3A_195 = arith.mulf %add3A_192, %mul3A_194 : vector<64x1024xf32>
      %mul3A_196 = arith.constant 0.707106769 : f32
      %mul3A_197 = vector.broadcast %mul3A_196 : f32 to vector<64x1024xf32>
      %mul3A_198 = arith.mulf %add3A_192, %mul3A_197 : vector<64x1024xf32>
      %erf3A = math.erf %mul3A_198 : vector<64x1024xf32>
      %add3A_199 = arith.constant 1.000000e+00 : f32
      %add3A_200 = vector.broadcast %add3A_199 : f32 to vector<64x1024xf32>
      %add3A_201 = arith.addf %add3A_200, %erf3A : vector<64x1024xf32>
      %mul3A_202 = arith.mulf %mul3A_195, %add3A_201 : vector<64x1024xf32>
      %convert_element_type3A_203 = arith.truncf %mul3A_202 : vector<64x1024xf32> to vector<64x1024xbf16>
      %dot_general3A_204 = arith.constant dense<0.000000e+00> : vector<64x768xf32>
      %dot_general3A_205 = tpu.matmul %convert_element_type3A_203, %convert_element_type3A_74, %dot_general3A_204 {dimension_numbers = #tpu.dot_dimension_numbers<[1], [1], [0], [0], [0, 0, 1, 0], [], []>, transpose_lhs_hint = false} : vector<64x1024xbf16>, vector<768x1024xbf16>, vector<64x768xf32> -> vector<64x768xf32>
      %add3A_206 = vector.broadcast %get3A_20 : vector<1x768xf32> to vector<64x768xf32>
      %add3A_207 = arith.addf %dot_general3A_205, %add3A_206 : vector<64x768xf32>
      %get3A_208 = arith.index_cast %multiple_of3A : i32 to index
      %get3A_209 = arith.constant 0 : index
      %get3A_210 = vector.load %arg3[%get3A_208, %get3A_209] : memref<2048x128xf32, #tpu.memory_space<vmem>>, vector<64x1xf32>
      %mul3A_211 = vector.broadcast %get3A_210 : vector<64x1xf32> to vector<64x768xf32>
      %mul3A_212 = arith.mulf %add3A_207, %mul3A_211 : vector<64x768xf32>
      %iota3A = tpu.iota {dimensions = array<i32: 0>} : vector<64x1xi32>
      %add3A_213 = vector.broadcast %multiple_of3A : i32 to vector<64x1xi32>
      %add3A_214 = arith.addi %add3A_213, %iota3A : vector<64x1xi32>
      %ge3A = vector.broadcast %get3A_22 : i32 to vector<64x1xi32>
      %ge3A_215 = arith.cmpi sge, %add3A_214, %ge3A : vector<64x1xi32>
      %lt3A = vector.broadcast %get3A_26 : i32 to vector<64x1xi32>
      %lt3A_216 = arith.cmpi slt, %add3A_214, %lt3A : vector<64x1xi32>
      %and3A_217 = arith.andi %ge3A_215, %lt3A_216 : vector<64x1xi1>
      %get3A_218 = arith.index_cast %multiple_of3A : i32 to index
      %get3A_219 = arith.constant 0 : index
      %get3A_220 = vector.load %arg8[%get3A_218, %get3A_219] : memref<2048x768xf32, #tpu.memory_space<vmem>>, vector<64x768xf32>
      %broadcast_in_dim3A = vector.shape_cast %and3A_217 : vector<64x1xi1> to vector<64x1xi1>
      %broadcast_in_dim3A_221 = vector.broadcast %broadcast_in_dim3A : vector<64x1xi1> to vector<64x768xi1>
      %select_n3A_222 = arith.select %broadcast_in_dim3A_221, %mul3A_212, %get3A_220 : vector<64x768xi1>, vector<64x768xf32>
      %swap3A = arith.index_cast %multiple_of3A : i32 to index
      %swap3A_223 = arith.constant 0 : index
      %swap3A_224 = vector.load %arg8[%swap3A, %swap3A_223] : memref<2048x768xf32, #tpu.memory_space<vmem>>, vector<64x768xf32>
      tpu.vector_store %arg8[%swap3A, %swap3A_223], %select_n3A_222 {strides = array<i32>} : memref<2048x768xf32, #tpu.memory_space<vmem>>, vector<64x768xf32>,
    }
    %while3A_83 = arith.constant 1 : i32
    scf.for %while3A_181 = %while3A_81 to %while3A_77 step %while3A_83  : i32 {
      %mul3A_182 = arith.constant 64 : i32
      %mul3A_183 = arith.muli %while3A_181, %mul3A_182 : i32
      %add3A_184 = arith.addi %mul3A_44, %mul3A_183 : i32
      %min3A = arith.constant 1984 : i32
      %min3A_185 = arith.minsi %add3A_184, %min3A : i32
      %multiple_of3A = tpu.assume_multiple %min3A_185, 8 : i32
      %get3A_186 = arith.index_cast %multiple_of3A : i32 to index
      %get3A_187 = arith.constant 0 : index
      %get3A_188 = vector.load %arg2[%get3A_186, %get3A_187] : memref<2048x768xf32, #tpu.memory_space<vmem>>, vector<64x768xf32>
      %convert_element_type3A_189 = arith.truncf %get3A_188 : vector<64x768xf32> to vector<64x768xbf16>
      %dot_general3A = arith.constant dense<0.000000e+00> : vector<64x1024xf32>
      %dot_general3A_190 = tpu.matmul %convert_element_type3A_189, %convert_element_type3A, %dot_general3A {dimension_numbers = #tpu.dot_dimension_numbers<[1], [1], [0], [0], [0, 0, 1, 0], [], []>, transpose_lhs_hint = false} : vector<64x768xbf16>, vector<1024x768xbf16>, vector<64x1024xf32> -> vector<64x1024xf32>
      %add3A_191 = vector.broadcast %get3A_10 : vector<1x1024xf32> to vector<64x1024xf32>
      %add3A_192 = arith.addf %dot_general3A_190, %add3A_191 : vector<64x1024xf32>
      %mul3A_193 = arith.constant 5.000000e-01 : f32
      %mul3A_194 = vector.broadcast %mul3A_193 : f32 to vector<64x1024xf32>
      %mul3A_195 = arith.mulf %add3A_192, %mul3A_194 : vector<64x1024xf32>
      %mul3A_196 = arith.constant 0.707106769 : f32
      %mul3A_197 = vector.broadcast %mul3A_196 : f32 to vector<64x1024xf32>
      %mul3A_198 = arith.mulf %add3A_192, %mul3A_197 : vector<64x1024xf32>
      %erf3A = math.erf %mul3A_198 : vector<64x1024xf32>
      %add3A_199 = arith.constant 1.000000e+00 : f32
      %add3A_200 = vector.broadcast %add3A_199 : f32 to vector<64x1024xf32>
      %add3A_201 = arith.addf %add3A_200, %erf3A : vector<64x1024xf32>
      %mul3A_202 = arith.mulf %mul3A_195, %add3A_201 : vector<64x1024xf32>
      %convert_element_type3A_203 = arith.truncf %mul3A_202 : vector<64x1024xf32> to vector<64x1024xbf16>
      %dot_general3A_204 = arith.constant dense<0.000000e+00> : vector<64x768xf32>
      %dot_general3A_205 = tpu.matmul %convert_element_type3A_203, %convert_element_type3A_74, %dot_general3A_204 {dimension_numbers = #tpu.dot_dimension_numbers<[1], [1], [0], [0], [0, 0, 1, 0], [], []>, transpose_lhs_hint = false} : vector<64x1024xbf16>, vector<768x1024xbf16>, vector<64x768xf32> -> vector<64x768xf32>
      %add3A_206 = vector.broadcast %get3A_20 : vector<1x768xf32> to vector<64x768xf32>
      %add3A_207 = arith.addf %dot_general3A_205, %add3A_206 : vector<64x768xf32>
      %get3A_208 = arith.index_cast %multiple_of3A : i32 to index
      %get3A_209 = arith.constant 0 : index
      %get3A_210 = vector.load %arg3[%get3A_208, %get3A_209] : memref<2048x128xf32, #tpu.memory_space<vmem>>, vector<64x1xf32>
      %mul3A_211 = vector.broadcast %get3A_210 : vector<64x1xf32> to vector<64x768xf32>
      %mul3A_212 = arith.mulf %add3A_207, %mul3A_211 : vector<64x768xf32>
      %iota3A = tpu.iota {dimensions = array<i32: 0>} : vector<64x1xi32>
      %add3A_213 = vector.broadcast %multiple_of3A : i32 to vector<64x1xi32>
      %add3A_214 = arith.addi %add3A_213, %iota3A : vector<64x1xi32>
      %ge3A = vector.broadcast %get3A_22 : i32 to vector<64x1xi32>
      %ge3A_215 = arith.cmpi sge, %add3A_214, %ge3A : vector<64x1xi32>
      %lt3A = vector.broadcast %get3A_26 : i32 to vector<64x1xi32>
      %lt3A_216 = arith.cmpi slt, %add3A_214, %lt3A : vector<64x1xi32>
      %and3A_217 = arith.andi %ge3A_215, %lt3A_216 : vector<64x1xi1>
      %get3A_218 = arith.index_cast %multiple_of3A : i32 to index
      %get3A_219 = arith.constant 0 : index
      %get3A_220 = vector.load %arg8[%get3A_218, %get3A_219] : memref<2048x768xf32, #tpu.memory_space<vmem>>, vector<64x768xf32>
      %broadcast_in_dim3A = vector.shape_cast %and3A_217 : vector<64x1xi1> to vector<64x1xi1>
      %broadcast_in_dim3A_221 = vector.broadcast %broadcast_in_dim3A : vector<64x1xi1> to vector<64x768xi1>
      %select_n3A_222 = arith.select %broadcast_in_dim3A_221, %mul3A_212, %get3A_220 : vector<64x768xi1>, vector<64x768xf32>
      %swap3A = arith.index_cast %multiple_of3A : i32 to index
      %swap3A_223 = arith.constant 0 : index
      %swap3A_224 = vector.load %arg8[%swap3A, %swap3A_223] : memref<2048x768xf32, #tpu.memory_space<vmem>>, vector<64x768xf32>
      tpu.vector_store %arg8[%swap3A, %swap3A_223], %select_n3A_222 {strides = array<i32>} : memref<2048x768xf32, #tpu.memory_space<vmem>>, vector<64x768xf32>,
    }
    %mul3A_84 = arith.constant 2 : i32
    %mul3A_85 = arith.muli %arg0, %mul3A_84 : i32
    %add3A_86 = arith.constant 1 : i32
    %add3A_87 = arith.addi %mul3A_85, %add3A_86 : i32
    %get3A_88 = arith.constant 1 : index
    %get3A_89 = arith.constant 0 : index
    %get3A_90 = arith.constant 0 : index
    %get3A_91 = vector.load %arg4[%get3A_88, %get3A_89, %get3A_90] : memref<2x1024x768xf32, #tpu.memory_space<vmem>>, vector<1x1024x768xf32>
    %get3A_92 = vector.shape_cast %get3A_91 : vector<1x1024x768xf32> to vector<1024x768xf32>
    %get3A_93 = arith.constant 1 : index
    %get3A_94 = arith.constant 0 : index
    %get3A_95 = arith.constant 0 : index
    %get3A_96 = vector.load %arg5[%get3A_93, %get3A_94, %get3A_95] : memref<2x1x1024xf32, #tpu.memory_space<vmem>>, vector<1x1x1024xf32>
    %get3A_97 = vector.shape_cast %get3A_96 : vector<1x1x1024xf32> to vector<1x1024xf32>
    %get3A_98 = arith.constant 1 : index
    %get3A_99 = arith.constant 0 : index
    %get3A_100 = arith.constant 0 : index
    %get3A_101 = vector.load %arg6[%get3A_98, %get3A_99, %get3A_100] : memref<2x768x1024xf32, #tpu.memory_space<vmem>>, vector<1x768x1024xf32>
    %get3A_102 = vector.shape_cast %get3A_101 : vector<1x768x1024xf32> to vector<768x1024xf32>
    %get3A_103 = arith.constant 1 : index
    %get3A_104 = arith.constant 0 : index
    %get3A_105 = arith.constant 0 : index
    %get3A_106 = vector.load %arg7[%get3A_103, %get3A_104, %get3A_105] : memref<2x1x768xf32, #tpu.memory_space<vmem>>, vector<1x1x768xf32>
    %get3A_107 = vector.shape_cast %get3A_106 : vector<1x1x768xf32> to vector<1x768xf32>
    %get3A_108 = arith.index_cast %add3A_87 : i32 to index
    %get3A_109 = memref.load %arg1[%get3A_108] : memref<128xi32, #tpu.memory_space<smem>>
    %add3A_110 = arith.constant 1 : i32
    %add3A_111 = arith.addi %add3A_87, %add3A_110 : i32
    %get3A_112 = arith.index_cast %add3A_111 : i32 to index
    %get3A_113 = memref.load %arg1[%get3A_112] : memref<128xi32, #tpu.memory_space<smem>>
    %jit3A_114 = arith.constant 8 : i32
    %div3A_115 = arith.divsi %get3A_109, %jit3A_114 : i32
    %sign3A_116 = arith.constant 0 : i32
    %sign3A_117 = arith.cmpi sgt, %get3A_109, %sign3A_116 : i32
    %sign3A_118 = arith.extui %sign3A_117 : i1 to i32
    %sign3A_119 = arith.constant 0 : i32
    %sign3A_120 = arith.cmpi slt, %get3A_109, %sign3A_119 : i32
    %sign3A_121 = arith.extui %sign3A_120 : i1 to i32
    %sign3A_122 = arith.subi %sign3A_118, %sign3A_121 : i32
    %sign3A_123 = arith.constant 0 : i32
    %sign3A_124 = arith.cmpi sgt, %jit3A_114, %sign3A_123 : i32
    %sign3A_125 = arith.extui %sign3A_124 : i1 to i32
    %sign3A_126 = arith.constant 0 : i32
    %sign3A_127 = arith.cmpi slt, %jit3A_114, %sign3A_126 : i32
    %sign3A_128 = arith.extui %sign3A_127 : i1 to i32
    %sign3A_129 = arith.subi %sign3A_125, %sign3A_128 : i32
    %ne3A_130 = arith.cmpi ne, %sign3A_122, %sign3A_129 : i32
    %rem3A_131 = arith.remsi %get3A_109, %jit3A_114 : i32
    %ne3A_132 = arith.constant 0 : i32
    %ne3A_133 = arith.cmpi ne, %rem3A_131, %ne3A_132 : i32
    %and3A_134 = arith.andi %ne3A_130, %ne3A_133 : i1
    %sub3A_135 = arith.constant 1 : i32
    %sub3A_136 = arith.subi %div3A_115, %sub3A_135 : i32
    %select_n3A_137 = arith.select %and3A_134, %sub3A_136, %div3A_115 : i32
    %mul3A_138 = arith.constant 8 : i32
    %mul3A_139 = arith.muli %select_n3A_137, %mul3A_138 : i32
    %sub3A_140 = arith.subi %get3A_113, %mul3A_139 : i32
    %add3A_141 = arith.constant 64 : i32
    %add3A_142 = arith.addi %sub3A_140, %add3A_141 : i32
    %sub3A_143 = arith.constant 1 : i32
    %sub3A_144 = arith.subi %add3A_142, %sub3A_143 : i32
    %jit3A_145 = arith.constant 64 : i32
    %div3A_146 = arith.divsi %sub3A_144, %jit3A_145 : i32
    %sign3A_147 = arith.constant 0 : i32
    %sign3A_148 = arith.cmpi sgt, %sub3A_144, %sign3A_147 : i32
    %sign3A_149 = arith.extui %sign3A_148 : i1 to i32
    %sign3A_150 = arith.constant 0 : i32
    %sign3A_151 = arith.cmpi slt, %sub3A_144, %sign3A_150 : i32
    %sign3A_152 = arith.extui %sign3A_151 : i1 to i32
    %sign3A_153 = arith.subi %sign3A_149, %sign3A_152 : i32
    %sign3A_154 = arith.constant 0 : i32
    %sign3A_155 = arith.cmpi sgt, %jit3A_145, %sign3A_154 : i32
    %sign3A_156 = arith.extui %sign3A_155 : i1 to i32
    %sign3A_157 = arith.constant 0 : i32
    %sign3A_158 = arith.cmpi slt, %jit3A_145, %sign3A_157 : i32
    %sign3A_159 = arith.extui %sign3A_158 : i1 to i32
    %sign3A_160 = arith.subi %sign3A_156, %sign3A_159 : i32
    %ne3A_161 = arith.cmpi ne, %sign3A_153, %sign3A_160 : i32
    %rem3A_162 = arith.remsi %sub3A_144, %jit3A_145 : i32
    %ne3A_163 = arith.constant 0 : i32
    %ne3A_164 = arith.cmpi ne, %rem3A_162, %ne3A_163 : i32
    %and3A_165 = arith.andi %ne3A_161, %ne3A_164 : i1
    %sub3A_166 = arith.constant 1 : i32
    %sub3A_167 = arith.subi %div3A_146, %sub3A_166 : i32
    %select_n3A_168 = arith.select %and3A_165, %sub3A_167, %div3A_146 : i32
    %convert_element_type3A_169 = arith.truncf %get3A_92 : vector<1024x768xf32> to vector<1024x768xbf16>
    %convert_element_type3A_170 = arith.truncf %get3A_102 : vector<768x1024xf32> to vector<768x1024xbf16>
    %while3A_171 = arith.constant 0 : i32
    %while3A_172 = arith.constant 0 : i32
    %while3A_173 = arith.subi %select_n3A_168, %while3A_172 : i32
    %while3A_174 = arith.addi %while3A_172, %while3A_173 : i32
    %while3A_175 = arith.constant 1 : i32
    %while3A_176 = arith.divsi %while3A_173, %while3A_175 : i32
    %while3A_177 = arith.muli %while3A_176, %while3A_175 : i32
    %while3A_178 = arith.addi %while3A_172, %while3A_177 : i32
    %while3A_179 = arith.constant 1 : i32
    scf.for %while3A_181 = %while3A_172 to %while3A_178 step %while3A_179  : i32 {
      %mul3A_182 = arith.constant 64 : i32
      %mul3A_183 = arith.muli %while3A_181, %mul3A_182 : i32
      %add3A_184 = arith.addi %mul3A_139, %mul3A_183 : i32
      %min3A = arith.constant 1984 : i32
      %min3A_185 = arith.minsi %add3A_184, %min3A : i32
      %multiple_of3A = tpu.assume_multiple %min3A_185, 8 : i32
      %get3A_186 = arith.index_cast %multiple_of3A : i32 to index
      %get3A_187 = arith.constant 0 : index
      %get3A_188 = vector.load %arg2[%get3A_186, %get3A_187] : memref<2048x768xf32, #tpu.memory_space<vmem>>, vector<64x768xf32>
      %convert_element_type3A_189 = arith.truncf %get3A_188 : vector<64x768xf32> to vector<64x768xbf16>
      %dot_general3A = arith.constant dense<0.000000e+00> : vector<64x1024xf32>
      %dot_general3A_190 = tpu.matmul %convert_element_type3A_189, %convert_element_type3A_169, %dot_general3A {dimension_numbers = #tpu.dot_dimension_numbers<[1], [1], [0], [0], [0, 0, 1, 0], [], []>, transpose_lhs_hint = false} : vector<64x768xbf16>, vector<1024x768xbf16>, vector<64x1024xf32> -> vector<64x1024xf32>
      %add3A_191 = vector.broadcast %get3A_97 : vector<1x1024xf32> to vector<64x1024xf32>
      %add3A_192 = arith.addf %dot_general3A_190, %add3A_191 : vector<64x1024xf32>
      %mul3A_193 = arith.constant 5.000000e-01 : f32
      %mul3A_194 = vector.broadcast %mul3A_193 : f32 to vector<64x1024xf32>
      %mul3A_195 = arith.mulf %add3A_192, %mul3A_194 : vector<64x1024xf32>
      %mul3A_196 = arith.constant 0.707106769 : f32
      %mul3A_197 = vector.broadcast %mul3A_196 : f32 to vector<64x1024xf32>
      %mul3A_198 = arith.mulf %add3A_192, %mul3A_197 : vector<64x1024xf32>
      %erf3A = math.erf %mul3A_198 : vector<64x1024xf32>
      %add3A_199 = arith.constant 1.000000e+00 : f32
      %add3A_200 = vector.broadcast %add3A_199 : f32 to vector<64x1024xf32>
      %add3A_201 = arith.addf %add3A_200, %erf3A : vector<64x1024xf32>
      %mul3A_202 = arith.mulf %mul3A_195, %add3A_201 : vector<64x1024xf32>
      %convert_element_type3A_203 = arith.truncf %mul3A_202 : vector<64x1024xf32> to vector<64x1024xbf16>
      %dot_general3A_204 = arith.constant dense<0.000000e+00> : vector<64x768xf32>
      %dot_general3A_205 = tpu.matmul %convert_element_type3A_203, %convert_element_type3A_170, %dot_general3A_204 {dimension_numbers = #tpu.dot_dimension_numbers<[1], [1], [0], [0], [0, 0, 1, 0], [], []>, transpose_lhs_hint = false} : vector<64x1024xbf16>, vector<768x1024xbf16>, vector<64x768xf32> -> vector<64x768xf32>
      %add3A_206 = vector.broadcast %get3A_107 : vector<1x768xf32> to vector<64x768xf32>
      %add3A_207 = arith.addf %dot_general3A_205, %add3A_206 : vector<64x768xf32>
      %get3A_208 = arith.index_cast %multiple_of3A : i32 to index
      %get3A_209 = arith.constant 0 : index
      %get3A_210 = vector.load %arg3[%get3A_208, %get3A_209] : memref<2048x128xf32, #tpu.memory_space<vmem>>, vector<64x1xf32>
      %mul3A_211 = vector.broadcast %get3A_210 : vector<64x1xf32> to vector<64x768xf32>
      %mul3A_212 = arith.mulf %add3A_207, %mul3A_211 : vector<64x768xf32>
      %iota3A = tpu.iota {dimensions = array<i32: 0>} : vector<64x1xi32>
      %add3A_213 = vector.broadcast %multiple_of3A : i32 to vector<64x1xi32>
      %add3A_214 = arith.addi %add3A_213, %iota3A : vector<64x1xi32>
      %ge3A = vector.broadcast %get3A_109 : i32 to vector<64x1xi32>
      %ge3A_215 = arith.cmpi sge, %add3A_214, %ge3A : vector<64x1xi32>
      %lt3A = vector.broadcast %get3A_113 : i32 to vector<64x1xi32>
      %lt3A_216 = arith.cmpi slt, %add3A_214, %lt3A : vector<64x1xi32>
      %and3A_217 = arith.andi %ge3A_215, %lt3A_216 : vector<64x1xi1>
      %get3A_218 = arith.index_cast %multiple_of3A : i32 to index
      %get3A_219 = arith.constant 0 : index
      %get3A_220 = vector.load %arg8[%get3A_218, %get3A_219] : memref<2048x768xf32, #tpu.memory_space<vmem>>, vector<64x768xf32>
      %broadcast_in_dim3A = vector.shape_cast %and3A_217 : vector<64x1xi1> to vector<64x1xi1>
      %broadcast_in_dim3A_221 = vector.broadcast %broadcast_in_dim3A : vector<64x1xi1> to vector<64x768xi1>
      %select_n3A_222 = arith.select %broadcast_in_dim3A_221, %mul3A_212, %get3A_220 : vector<64x768xi1>, vector<64x768xf32>
      %swap3A = arith.index_cast %multiple_of3A : i32 to index
      %swap3A_223 = arith.constant 0 : index
      %swap3A_224 = vector.load %arg8[%swap3A, %swap3A_223] : memref<2048x768xf32, #tpu.memory_space<vmem>>, vector<64x768xf32>
      tpu.vector_store %arg8[%swap3A, %swap3A_223], %select_n3A_222 {strides = array<i32>} : memref<2048x768xf32, #tpu.memory_space<vmem>>, vector<64x768xf32>,
    }
    %while3A_180 = arith.constant 1 : i32
    scf.for %while3A_181 = %while3A_178 to %while3A_174 step %while3A_180  : i32 {
      %mul3A_182 = arith.constant 64 : i32
      %mul3A_183 = arith.muli %while3A_181, %mul3A_182 : i32
      %add3A_184 = arith.addi %mul3A_139, %mul3A_183 : i32
      %min3A = arith.constant 1984 : i32
      %min3A_185 = arith.minsi %add3A_184, %min3A : i32
      %multiple_of3A = tpu.assume_multiple %min3A_185, 8 : i32
      %get3A_186 = arith.index_cast %multiple_of3A : i32 to index
      %get3A_187 = arith.constant 0 : index
      %get3A_188 = vector.load %arg2[%get3A_186, %get3A_187] : memref<2048x768xf32, #tpu.memory_space<vmem>>, vector<64x768xf32>
      %convert_element_type3A_189 = arith.truncf %get3A_188 : vector<64x768xf32> to vector<64x768xbf16>
      %dot_general3A = arith.constant dense<0.000000e+00> : vector<64x1024xf32>
      %dot_general3A_190 = tpu.matmul %convert_element_type3A_189, %convert_element_type3A_169, %dot_general3A {dimension_numbers = #tpu.dot_dimension_numbers<[1], [1], [0], [0], [0, 0, 1, 0], [], []>, transpose_lhs_hint = false} : vector<64x768xbf16>, vector<1024x768xbf16>, vector<64x1024xf32> -> vector<64x1024xf32>
      %add3A_191 = vector.broadcast %get3A_97 : vector<1x1024xf32> to vector<64x1024xf32>
      %add3A_192 = arith.addf %dot_general3A_190, %add3A_191 : vector<64x1024xf32>
      %mul3A_193 = arith.constant 5.000000e-01 : f32
      %mul3A_194 = vector.broadcast %mul3A_193 : f32 to vector<64x1024xf32>
      %mul3A_195 = arith.mulf %add3A_192, %mul3A_194 : vector<64x1024xf32>
      %mul3A_196 = arith.constant 0.707106769 : f32
      %mul3A_197 = vector.broadcast %mul3A_196 : f32 to vector<64x1024xf32>
      %mul3A_198 = arith.mulf %add3A_192, %mul3A_197 : vector<64x1024xf32>
      %erf3A = math.erf %mul3A_198 : vector<64x1024xf32>
      %add3A_199 = arith.constant 1.000000e+00 : f32
      %add3A_200 = vector.broadcast %add3A_199 : f32 to vector<64x1024xf32>
      %add3A_201 = arith.addf %add3A_200, %erf3A : vector<64x1024xf32>
      %mul3A_202 = arith.mulf %mul3A_195, %add3A_201 : vector<64x1024xf32>
      %convert_element_type3A_203 = arith.truncf %mul3A_202 : vector<64x1024xf32> to vector<64x1024xbf16>
      %dot_general3A_204 = arith.constant dense<0.000000e+00> : vector<64x768xf32>
      %dot_general3A_205 = tpu.matmul %convert_element_type3A_203, %convert_element_type3A_170, %dot_general3A_204 {dimension_numbers = #tpu.dot_dimension_numbers<[1], [1], [0], [0], [0, 0, 1, 0], [], []>, transpose_lhs_hint = false} : vector<64x1024xbf16>, vector<768x1024xbf16>, vector<64x768xf32> -> vector<64x768xf32>
      %add3A_206 = vector.broadcast %get3A_107 : vector<1x768xf32> to vector<64x768xf32>
      %add3A_207 = arith.addf %dot_general3A_205, %add3A_206 : vector<64x768xf32>
      %get3A_208 = arith.index_cast %multiple_of3A : i32 to index
      %get3A_209 = arith.constant 0 : index
      %get3A_210 = vector.load %arg3[%get3A_208, %get3A_209] : memref<2048x128xf32, #tpu.memory_space<vmem>>, vector<64x1xf32>
      %mul3A_211 = vector.broadcast %get3A_210 : vector<64x1xf32> to vector<64x768xf32>
      %mul3A_212 = arith.mulf %add3A_207, %mul3A_211 : vector<64x768xf32>
      %iota3A = tpu.iota {dimensions = array<i32: 0>} : vector<64x1xi32>
      %add3A_213 = vector.broadcast %multiple_of3A : i32 to vector<64x1xi32>
      %add3A_214 = arith.addi %add3A_213, %iota3A : vector<64x1xi32>
      %ge3A = vector.broadcast %get3A_109 : i32 to vector<64x1xi32>
      %ge3A_215 = arith.cmpi sge, %add3A_214, %ge3A : vector<64x1xi32>
      %lt3A = vector.broadcast %get3A_113 : i32 to vector<64x1xi32>
      %lt3A_216 = arith.cmpi slt, %add3A_214, %lt3A : vector<64x1xi32>
      %and3A_217 = arith.andi %ge3A_215, %lt3A_216 : vector<64x1xi1>
      %get3A_218 = arith.index_cast %multiple_of3A : i32 to index
      %get3A_219 = arith.constant 0 : index
      %get3A_220 = vector.load %arg8[%get3A_218, %get3A_219] : memref<2048x768xf32, #tpu.memory_space<vmem>>, vector<64x768xf32>
      %broadcast_in_dim3A = vector.shape_cast %and3A_217 : vector<64x1xi1> to vector<64x1xi1>
      %broadcast_in_dim3A_221 = vector.broadcast %broadcast_in_dim3A : vector<64x1xi1> to vector<64x768xi1>
      %select_n3A_222 = arith.select %broadcast_in_dim3A_221, %mul3A_212, %get3A_220 : vector<64x768xi1>, vector<64x768xf32>
      %swap3A = arith.index_cast %multiple_of3A : i32 to index
      %swap3A_223 = arith.constant 0 : index
      %swap3A_224 = vector.load %arg8[%swap3A, %swap3A_223] : memref<2048x768xf32, #tpu.memory_space<vmem>>, vector<64x768xf32>
      tpu.vector_store %arg8[%swap3A, %swap3A_223], %select_n3A_222 {strides = array<i32>} : memref<2048x768xf32, #tpu.memory_space<vmem>>, vector<64x768xf32>,
    }
    return
  }
  func.func @transform_0(%arg0: i32, %arg1: memref<128xi32, #tpu.memory_space<smem>>) -> (i32, i32) {
    %c0_i32 = arith.constant 0 : i32
    %c0_i32_0 = arith.constant 0 : i32
    %c0_i32_1 = arith.constant 0 : i32
    return %c0_i32, %c0_i32_0 : i32, i32
  }
  func.func @transform_1(%arg0: i32, %arg1: memref<128xi32, #tpu.memory_space<smem>>) -> (i32, i32) {
    %c0_i32 = arith.constant 0 : i32
    %c0_i32_0 = arith.constant 0 : i32
    %c0_i32_1 = arith.constant 0 : i32
    return %c0_i32, %c0_i32_0 : i32, i32
  }
  func.func @transform_2(%arg0: i32, %arg1: memref<128xi32, #tpu.memory_space<smem>>) -> (i32, i32, i32) {
    %c0_i32 = arith.constant 0 : i32
    %c0_i32_0 = arith.constant 0 : i32
    %c0_i32_1 = arith.constant 0 : i32
    return %arg0, %c0_i32, %c0_i32_0 : i32, i32, i32
  }
  func.func @transform_3(%arg0: i32, %arg1: memref<128xi32, #tpu.memory_space<smem>>) -> (i32, i32, i32) {
    %c0_i32 = arith.constant 0 : i32
    %c0_i32_0 = arith.constant 0 : i32
    %c0_i32_1 = arith.constant 0 : i32
    return %arg0, %c0_i32, %c0_i32_0 : i32, i32, i32
  }
  func.func @transform_4(%arg0: i32, %arg1: memref<128xi32, #tpu.memory_space<smem>>) -> (i32, i32, i32) {
    %c0_i32 = arith.constant 0 : i32
    %c0_i32_0 = arith.constant 0 : i32
    %c0_i32_1 = arith.constant 0 : i32
    return %arg0, %c0_i32, %c0_i32_0 : i32, i32, i32
  }
  func.func @transform_5(%arg0: i32, %arg1: memref<128xi32, #tpu.memory_space<smem>>) -> (i32, i32, i32) {
    %c0_i32 = arith.constant 0 : i32
    %c0_i32_0 = arith.constant 0 : i32
    %c0_i32_1 = arith.constant 0 : i32
    return %arg0, %c0_i32, %c0_i32_0 : i32, i32, i32
  }
  func.func @transform_6(%arg0: i32, %arg1: memref<128xi32, #tpu.memory_space<smem>>) -> (i32, i32) {
    %c0_i32 = arith.constant 0 : i32
    %c0_i32_0 = arith.constant 0 : i32
    %c0_i32_1 = arith.constant 0 : i32
    return %c0_i32, %c0_i32_0 : i32, i32
  }
}

</mosaic_0001>

<sc_bundles>
// kernel: kernel.6.cloned.1.call-start
scs
__scs_entry_jumppad:
0x0: {  	(pc) =	sbr.rel $0x88, $3  }
0x1: {  	(tag) =	ssettag $0x0;
	lr =	simm.s32 $0x1  }
0x2: {  	[smem:$0x3F9B] =	sst lr;
	_ =	strace $0xD0000000  }
0x3: {  	_ = 	snop  }
0x4: {  	_ = 	snop  }
0x5: {  	_ = 	snop  }
0x6: {  	_ = 	snop  }
0x7: {  	_ = 	snop  }
__scs_overlays_trampoline_lowered:
0x8: {  	[smem:$0x3FAA] =	sst s0  }
0x9: {  	[smem:$0x3FAB] =	sst s1  }
0xa: {  	[smem:$0x3FAC] =	sst s2  }
0xb: {  	[smem:$0x3FAD] =	sst s3  }
0xc: {  	[smem:$0x3FAE] =	sst s4  }
0xd: {  	[smem:$0x3FAF] =	sst s5  }
0xe: {  	[smem:$0x3FB0] =	sst s6  }
0xf: {  	[smem:$0x3FB1] =	sst s7  }
0x10: {  	[smem:$0x3FB2] =	sst s8  }
0x11: {  	[smem:$0x3FB3] =	sst s9;
	s0 =	simm.s32 @!p0 $0x0  }
0x12: {  	s1 =	sld [smem:$0x3F99];
	s0 =	simm.s32 @p0 $0x1  }
0x13: {  	[smem:$0x3FB4] =	sst s0;
	s0 =	simm.s32 @!p1 $0x0  }
0x14: {  	s2 =	sld [smem:$0x3F98];
	s0 =	simm.s32 @p1 $0x1  }
0x15: {  	[smem:$0x3FB5] =	sst s0;
	s0 =	simm.s32 @!p2 $0x0  }
0x16: {  	s3 =	sld [smem:$0x3FDB];
	s0 =	simm.s32 @p2 $0x1  }
0x17: {  	s4 =	simm.s32 $0x1BF5;
	[smem:$0x3FB7] =	sst s0  }
0x18: {  	s0 =	sld [smem:$0x3F9A];
	_ =	swait.ge [sflag:s4], $0x0  }
0x19: {  	s7 =	sld [smem:$0x3F9B]  }
0x1a: {  	s8 =	sadd.s32 $0xFFFFE003, lr  }
0x1b: {  	s9 =	sadd.s32 $0xFFFFFEF7, lr;
	s5 =	simm.s32 $0xFFFFFFFF;
	p2 =	slt.u32 s8, $0xFFFFF086  }
0x1c: {  	p1 =	slt.u32 s9, $0xF7A;
	s5 =	simm.s32 @!p2 $0x0  }
0x1d: {  	s5 =	simm.s32 @p1 $0x1;
	p0 =	seq.s32 s7, s2  }
0x1e: {  	s7 =	smul.u32 @!p0 $0xF7A, s2;
	p2 =	seq.s32 @!p0 s5, $0x0  }
0x1f: {  	s9 =	smul.u32 $0xF7A, s1;
	s8 =	simm.s32 @!p0 $0x1BF5;
	p2 =	por !p2, p0  }
0x20: {  	[sflag:s8] =	ssyncset.s32 @!p0 $0xFFFFF086;
	s6 =	sadd.s32 @!p0 s3, s7;
	s7 =	simm.s32 @!p0 $0x108  }
0x21: {  	s3 =	sadd.s32 s3, s9;
	s6 =	sadd.s32 @!p0 $0x88, s6;
	s7 =	simm.s32 @p2 $0x1082  }
0x22: {  	[simem:s7], [sflag:s8] =	dma.local @!p0 [hbm:s6], $0xF7A  }
0x23: {  	s9 =	sor.u32 $0xD0000000, s2;
	s6 =	simm.s32 $0x108;
	_ =	swait.ge @!p0 [sflag:s8], $0x0  }
0x24: {  	s3 =	sadd.s32 $0x88, s3;
	s6 =	simm.s32 @!p1 $0x1082;
	[sflag:s4] =	ssyncset.s32 $0xFFFFF086  }
0x25: {  	[simem:s6], [sflag:s4] =	dma.local [hbm:s3], $0xF7A  }
0x26: {  	[smem:$0x3F9B] =	sst s1;
	(tag) =	ssettag s2;
	_ =	strace s9  }
0x27: {  	s1 =	sld [smem:$0x3FAB]  }
0x28: {  	s2 =	sld [smem:$0x3FAC]  }
0x29: {  	s4 =	sld [smem:$0x3FAE]  }
0x2a: {  	p0 =	seq.s32 s5, $0x0;
	s5 =	sld [smem:$0x3FAF]  }
0x2b: {  	s6 =	sld [smem:$0x3FB0]  }
0x2c: {  	s7 =	sld [smem:$0x3FB1]  }
0x2d: {  	s3 =	simm.s32 $0x108;
	s8 =	sld [smem:$0x3FB2]  }
0x2e: {  	s3 =	simm.s32 @!p0 $0x1082;
	s9 =	sld [smem:$0x3FB3]  }
0x2f: {  	lr =	sadd.s32 s0, s3;
	s0 =	sld [smem:$0x3FAA]  }
0x30: {  	s3 =	sld [smem:$0x3FAD]  }
0x31: {  	[smem:$0x3FB6] =	sst s10  }
0x32: {  	s10 =	sld [smem:$0x3FB4];
	_ =	sdelay $0x3  }
0x33: {  	p0 =	seq.s32 s10, $0x1;
	s10 =	sld [smem:$0x3FB6];
	_ =	sdelay $0x3  }
0x34: {  	[smem:$0x3FB6] =	sst s10  }
0x35: {  	s10 =	sld [smem:$0x3FB5];
	_ =	sdelay $0x3  }
0x36: {  	p1 =	seq.s32 s10, $0x1;
	s10 =	sld [smem:$0x3FB6];
	_ =	sdelay $0x3  }
0x37: {  	[smem:$0x3FB6] =	sst s10  }
0x38: {  	s10 =	sld [smem:$0x3FB7]  }
0x39: {  	_ = 	snop;
	(pc) =	sbr.ind lr, $3  }
0x3a: {  	_ = 	snop  }
0x3b: {  	_ = 	snop  }
0x3c: {  	p2 =	seq.s32 s10, $0x1;
	s10 =	sld [smem:$0x3FB6]  }
0x3d: {  	_ =	shalt  }
0x3e: {  	_ =	shalt  }
0x3f: {  	_ =	shalt  }
0x40: {  	_ =	shalt  }
0x41: {  	_ =	shalt  }
0x42: {  	_ =	shalt  }
0x43: {  	_ =	shalt  }
0x44: {  	_ =	shalt  }
0x45: {  	_ =	shalt  }
0x46: {  	_ =	shalt  }
0x47: {  	_ =	shalt  }
0x48: {  	_ =	shalt  }
0x49: {  	_ =	shalt  }
0x4a: {  	_ =	shalt  }
0x4b: {  	_ =	shalt  }
0x4c: {  	_ =	shalt  }
0x4d: {  	_ =	shalt  }
0x4e: {  	_ =	shalt  }
0x4f: {  	_ =	shalt  }
0x50: {  	_ =	shalt  }
0x51: {  	_ =	shalt  }
0x52: {  	_ =	shalt  }
0x53: {  	_ =	shalt  }
0x54: {  	_ =	shalt  }
0x55: {  	_ =	shalt  }
0x56: {  	_ =	shalt  }
0x57: {  	_ =	shalt  }
0x58: {  	_ =	shalt  }
0x59: {  	_ =	shalt  }
0x5a: {  	_ =	shalt  }
0x5b: {  	_ =	shalt  }
0x5c: {  	_ =	shalt  }
0x5d: {  	_ =	shalt  }
0x5e: {  	_ =	shalt  }
0x5f: {  	_ =	shalt  }
0x60: {  	_ =	shalt  }
0x61: {  	_ =	shalt  }
0x62: {  	_ =	shalt  }
0x63: {  	_ =	shalt  }
0x64: {  	_ =	shalt  }
0x65: {  	_ =	shalt  }
0x66: {  	_ =	shalt  }
0x67: {  	_ =	shalt  }
0x68: {  	_ =	shalt  }
0x69: {  	_ =	shalt  }
0x6a: {  	_ =	shalt  }
0x6b: {  	_ =	shalt  }
0x6c: {  	_ =	shalt  }
0x6d: {  	_ =	shalt  }
0x6e: {  	_ =	shalt  }
0x6f: {  	_ =	shalt  }
0x70: {  	_ =	shalt  }
0x71: {  	_ =	shalt  }
0x72: {  	_ =	shalt  }
0x73: {  	_ =	shalt  }
0x74: {  	_ =	shalt  }
0x75: {  	_ =	shalt  }
0x76: {  	_ =	shalt  }
0x77: {  	_ =	shalt  }
0x78: {  	_ =	shalt  }
0x79: {  	_ =	shalt  }
0x7a: {  	_ =	shalt  }
0x7b: {  	_ =	shalt  }
0x7c: {  	_ =	shalt  }
0x7d: {  	_ =	shalt  }
0x7e: {  	_ =	shalt  }
0x7f: {  	_ =	shalt  }
0x80: {  	_ =	shalt  }
0x81: {  	_ =	shalt  }
0x82: {  	_ =	shalt  }
0x83: {  	_ =	shalt  }
0x84: {  	_ =	shalt  }
0x85: {  	_ =	shalt  }
0x86: {  	_ =	shalt  }
0x87: {  	_ =	shalt  }
.Lfunc_end0:
.L_simem_size_0:
called_computation_lowered:
.L_overlay_start_0:
0x88: {  	s2 =	sld [smem:$0x3FD9]  }
0x89: {  	s3 =	sld [smem:$0x3FFE];
	_ =	sdelay $0x1  }
0x8a: {  	s1 =	srdreg.scid  }
0x8b: {  	s0 =	sand.u32 $0x1, s1  }
0x8c: {  	s17 =	sshll.u32 s0, $0xA;
	s2 =	sadd.s32 s3, s2  }
0x8d: {  	s2 =	sadd.s32 s2, s17  }
0x8e: {  	[smem:$0x3FC2] =	sst s2  }
0x8f: {  	_ = 	snop  }
0x90: {  	s2 =	sld [smem:$0x3FC9]  }
0x91: {  	s18 =	sld [smem:$0x3FD0];
	(tm) =	ssettm $0x1  }
0x92: {  	s4 =	sld [smem:$0x3FFB];
	_ =	sdelay $0x3  }
0x93: {  	_ =	strace s4  }
0x94: {  	s4 =	sld [smem:$0x3FFC];
	_ =	sdelay $0x3  }
0x95: {  	_ =	strace s4  }
0x96: {  	s4 =	sld [smem:$0x3FFD];
	_ =	sdelay $0x3  }
0x97: {  	_ =	strace s4  }
0x98: {  	_ =	strace $0x8FFFFFFF  }
0x99: {  	s19 =	sld [smem:$0x3FDB];
	_ =	sdelay $0x1  }
0x9a: {  	s5 =	simm.s32 $_scs_section_size  }
0x9b: {  	s6 =	simm.s32 $_size__tile_overlayer_lowered;
	s7 =	simm.s32 $_tile_overlayer_lowered  }
0x9c: {  	s22 =	simm.s32 $0x1BFF;
	s21 =	sshll.u32 s7, $0x1;
	s4 =	sadd.s32 s5, s19  }
0x9d: {  	s8 =	simm.s32 $0x0;
	s20 =	sshll.u32 s6, $0x1;
	s6 =	sadd.s32 s21, s4  }
0x9e: {  	[timem:s8], [sflag:s22] =	dma.local [hbm:s6], s20  }
0x9f: {  	_ =	swait.ge [sflag:s22], s20  }
0xa0: {  	s5 =	ssub.s32 $0x0, s20;
	[sflag:s22] =	ssyncset.done $0x0  }
0xa1: {  	[sflag:s22] =	ssyncadd.s32 s5;
	_ =	sdelay $0x1  }
0xa2: {  	s23 =	simm.s32 $0x1B8B  }
0xa3: {  	_ =	swait.ge [sflag:s23], $0x1  }
0xa4: {  	[sflag:s23] =	ssyncset.done $0x0  }
0xa5: {  	s25 =	simm.s32 $0x1B8E;
	s24 =	sld [smem:$0x3FFE];
	[sflag:s23] =	ssyncadd.s32 $0xFFFFFFFF  }
0xa6: {  	s26 =	simm.s32 $execute0_lowered;
	[smem:$0x3FD2] =	sst s25  }
0xa7: {  	s6 =	sshll.u32 s26, $0x1;
	_ =	strace $0x80000046;
	[dreg:$0x1] =	wrdreg $0xFFFFFFFF  }
0xa8: {  	s28 =	simm.s32 $_size_execute0_lowered;
	s4 =	sadd.s32 s4, s6;
	[dreg:$0x0] =	wrdreg $0x0  }
0xa9: {  	s6 =	sshll.u32 s28, $0x1;
	[dreg:$0x2] =	wrdreg s4  }
0xaa: {  	[dreg:$0x3] =	wrdreg s6  }
0xab: {  	[dreg:$0x4] =	wrdreg $0xC0  }
0xac: {  	_ =	task [dreg:s8], $0x5FFFF  }
0xad: {  	[dreg:$0x1] =	wrdreg $0xFFFFFFFF  }
0xae: {  	[dreg:$0x0] =	wrdreg $0x60  }
0xaf: {  	[dreg:$0x2] =	wrdreg s24  }
0xb0: {  	[dreg:$0x3] =	wrdreg s2  }
0xb1: {  	[dreg:$0x4] =	wrdreg s18  }
0xb2: {  	[dreg:$0x5] =	wrdreg $0x9  }
0xb3: {  	_ =	task.clear_ibuf [dreg:s8], $0x6FFFF;
	_ =	strace $0x90000046  }
0xb4: {  	s29 =	simm.s32 $0x9;
	_ =	strace $0x80000048  }
0xb5: {  	_ =	swait.ge [sflag:s29], $0x1  }
0xb6: {  	[sflag:s29] =	ssyncadd.s32 $0xFFFFFFFF  }
0xb7: {  	_ =	strace $0x90000048  }
0xb8: {  	_ =	sfence  }
0xb9: {  	s30 =	sld [smem:$0x0];
	_ =	sdelay $0x2  }
0xba: {  	s31 =	sshll.u32 s1, $0xD;
	s1 =	sshrl.u32 s1, $0x2  }
0xbb: {  	s3 =	sand.u32 $0x4000, s31;
	s1 =	sadd.s32 s1, s30  }
0xbc: {  	s0 =	sor.u32 s3, s0;
	s1 =	sshll.u32 s1, $0x11  }
0xbd: {  	s0 =	sor.u32 s1, s0  }
0xbe: {  	s0 =	sadd.s32 $0x8F2B, s0  }
0xbf: {  	[sflag:s0] =	ssyncadd.remote.s32 $0x1  }
0xc0: {  	_ =	sfence.sel $0xFFFF  }
0xc1: {  	[dreg:$0x0] =	wrdreg $0xFFFFFFFF;
	(pc) =	sbr.abs _section_cstart, $3  }
0xc2: {  	[dreg:$0x1] =	wrdreg $0xFFFFFFFF  }
0xc3: {  	_ =	task.clear_ibuf [dreg:s8], $0x2FFFF;
	_ =	strace $0x9FFFFFFF  }
0xc4: {  	(tm) =	ssettm $0x7FFFFFFF  }
0xc5: {  	_ =	shalt  }
tec
execute0_lowered:
.L_overlay_start_1:
0x0: {  	(tag) =	ssettag $0x1  }
0x1: {  	s1 =	rddreg [dreg:$0x0];
	s2 =	srdreg.scid  }
0x2: {  	s4 =	rddreg [dreg:$0x1];
	s0 =	stileid.u32  }
0x3: {  	s3 =	simm.s32 $0x0;
	s24 =	simm.s32 $0x880;
	s25 =	simm.s32 $0x1080  }
0x4: {  	s26 =	simm.s32 $0x1880;
	s11 =	simm.s32 $0x2880;
	s12 =	simm.s32 $0x3080  }
0x5: {  	s13 =	simm.s32 $0x3880;
	s14 =	simm.s32 $0x4080;
	s15 =	simm.s32 $0x4880  }
0x6: {  	s16 =	simm.s32 $0x5080;
	s17 =	simm.s32 $0x5880;
	s18 =	simm.s32 $0x6080  }
0x7: {  	s19 =	simm.s32 $0x6880;
	s20 =	simm.s32 $0x7080;
	s21 =	simm.s32 $0x7880  }
0x8: {  	s28 =	simm.s32 $0xA880;
	s5 =	sand.u32 $0x1, s2;
	s2 =	rddreg [dreg:$0x2]  }
0x9: {  	s29 =	simm.s32 $0xB080;
	[smem:$0x7FF] =	sst s3;
	s9 =	sadd.s32 $0x9C00, s1  }
0xa: {  	s30 =	simm.s32 $0xB880;
	_ =	strace $0x80000047;
	[dreg:$0x4] =	wrdreg s9  }
0xb: {  	s31 =	simm.s32 $0x1;
	s6 =	sshll.u32 s0, $0x7;
	[dreg:$0x8] =	wrdreg s24  }
0xc: {  	s7 =	sshll.u32 s5, $0x6;
	s5 =	ssub.s32 $0x2, s5;
	[dreg:$0x9] =	wrdreg s25  }
0xd: {  	s9 =	simm.s32 $0xC080;
	[dreg:$0xa] =	wrdreg s26;
	s24 =	simm.s32 $0x9080  }
0xe: {  	s25 =	simm.s32 $0x9880;
	s26 =	simm.s32 $0xA080;
	s6 =	sor.u32 s7, s6  }
0xf: {  	s23 =	sshrl.u32 s5, $0x1;
	s7 =	sshrl.u32 s6, $0x3;
	s6 =	sshll.u32 s6, $0x4  }
0x10: {  	s8 =	sadd.s32 s7, s1;
	s7 =	smul.u32 $0x300, s7;
	s1 =	sadd.s32 s6, s1  }
0x11: {  	s6 =	ssub.s32 s5, s23;
	s5 =	sadd.s32 $0x200, s2;
	s23 =	simm.s32 $0x8880  }
0x12: {  	s22 =	sadd.s32 $0x9A00, s8;
	s1 =	sadd.s32 $0x1A00, s1;
	s6 =	smax.u32 s6, $0x1  }
0x13: {  	v2 =	vlaneseq.u32;
	s8 =	simm.s32 $0x80;
	[dreg:$0x5] =	wrdreg s22;
	s4 =	sadd.s32 s4, s7  }
0x14: {  	vm0 =	vmmov $0xffff;
	v1 =	vshrl.u32 v2, $0x3;
	[dreg:$0x7] =	wrdreg s1;
	s7 =	simm.s32 $0x2;
	s22 =	simm.s32 $0x8080  }
0x15: {  	v0 =	vand.u32 $0x7, v2;
	v2 =	vor.u32 $0x8, v2;
	v1 =	vmul.u32 $0x8, v1;
	s1 =	simm.s32 $0x40;
	[dreg:$0x6] =	wrdreg s4;
	s4 =	sadd.s32 $0x100, s2  }
.LBB2_1:
0x16: {  	s0 =	rddreg [dreg:$0x5]  }
0x17: {  	[tilespmem:s3], [sflag:$0x2] =	stream.linear.gather [hbm4b:s0+s3], $0x40, $0x38;
	[tilespmem:$0xE080] =	vst v63  }
0x18: {  	_ =	swait.ge [sflag:s7], $0x40  }
0x19: {  	[sflag:s7] =	ssyncset.done $0x0  }
0x1a: {  	s10 =	rddreg [dreg:$0x6];
	[sflag:s7] =	ssyncadd.s32 $0xFFFFFFC0  }
0x1b: {  	[tilespmem:s8], [sflag:$0x2] =	stream.linear.gather [hbm4b:s10+s3], $0xC000, $0x38;
	[tilespmem:$0xE080] =	vst v63  }
0x1c: {  	_ =	swait.ge [sflag:s7], $0xC000  }
0x1d: {  	[sflag:s7] =	ssyncset.done $0x0  }
0x1e: {  	s10 =	rddreg [dreg:$0x7];
	[sflag:s7] =	ssyncadd.s32 $0xFFFF4000  }
0x1f: {  	[tilespmem:s9], [sflag:$0x2] =	stream.linear.gather [hbm4b:s10+s3], $0x2000, $0x38;
	[tilespmem:$0xE080] =	vst v63  }
0x20: {  	_ =	swait.ge [sflag:s7], $0x2000  }
0x21: {  	[sflag:s7] =	ssyncset.done $0x0  }
0x22: {  	[sflag:s7] =	ssyncadd.s32 $0xFFFFE000  }
0x23: {  	v3 =	vld [tilespmem:$0x0];
	_ =	sdelay $0x4  }
0x24: {  	v4 =	vshrl.u32 v3, $0x3  }
0x25: {  	v4 =	vmul.u32 $0x30, v4  }
0x26: {  	v3 =	vand.u32 $0x7, v3  }
0x27: {  	v3 =	vor.u32 v3, v4  }
0x28: {  	v4 =	vperm.xlane v3, v0;
	_ =	sdelay $0x1  }
0x29: {  	v4 =	vadd.s32 v1, v4;
	_ =	sdelay $0x3  }
0x2a: {  	v3 =	vperm.xlane v3, v2  }
0x2b: {  	[hbm4b:s2+s3] =	stream.indirect_vreg.scatter [tilespmem:s8], [sflag:$0x1], $0x80, v4, vm0, $0xb8;
	[tilespmem:$0xE080] =	vst v63  }
0x2c: {  	s0 =	rddreg [dreg:$0x8];
	v3 =	vadd.s32 v1, v3  }
0x2d: {  	[hbm4b:s4+s3] =	stream.indirect_vreg.scatter [tilespmem:s0], [sflag:$0x1], $0x80, v4, vm0, $0xb8;
	[tilespmem:$0xE080] =	vst v63  }
0x2e: {  	s10 =	rddreg [dreg:$0x9]  }
0x2f: {  	[hbm4b:s5+s3] =	stream.indirect_vreg.scatter [tilespmem:s10], [sflag:$0x1], $0x80, v4, vm0, $0xb8;
	[tilespmem:$0xE080] =	vst v63  }
0x30: {  	s0 =	rddreg [dreg:$0xa]  }
0x31: {  	[hbm4b:s2+s3] =	stream.indirect_vreg.scatter [tilespmem:s0], [sflag:$0x1], $0x80, v3, vm0, $0xb8;
	[tilespmem:$0xE080] =	vst v63  }
0x32: {  	s10 =	simm.s32 $0x2080  }
0x33: {  	[hbm4b:s4+s3] =	stream.indirect_vreg.scatter [tilespmem:s10], [sflag:$0x1], $0x80, v3, vm0, $0xb8;
	[tilespmem:$0xE080] =	vst v63  }
0x34: {  	_ = 	snop  }
0x35: {  	[hbm4b:s5+s3] =	stream.indirect_vreg.scatter [tilespmem:s11], [sflag:$0x1], $0x80, v3, vm0, $0xb8;
	[tilespmem:$0xE080] =	vst v63  }
0x36: {  	v3 =	vld [tilespmem:$0x10];
	_ =	sdelay $0x4  }
0x37: {  	v61 =	vshrl.u32 v3, $0x3  }
0x38: {  	v4 =	vmul.u32 $0x30, v61  }
0x39: {  	v3 =	vand.u32 $0x7, v3  }
0x3a: {  	v3 =	vor.u32 v3, v4  }
0x3b: {  	v4 =	vperm.xlane v3, v0;
	_ =	sdelay $0x1  }
0x3c: {  	v4 =	vadd.s32 v1, v4;
	_ =	sdelay $0x3  }
0x3d: {  	v3 =	vperm.xlane v3, v2  }
0x3e: {  	[hbm4b:s2+s3] =	stream.indirect_vreg.scatter [tilespmem:s12], [sflag:$0x1], $0x80, v4, vm0, $0xb8;
	[tilespmem:$0xE080] =	vst v63  }
0x3f: {  	v3 =	vadd.s32 v1, v3  }
0x40: {  	[hbm4b:s4+s3] =	stream.indirect_vreg.scatter [tilespmem:s13], [sflag:$0x1], $0x80, v4, vm0, $0xb8;
	[tilespmem:$0xE080] =	vst v63  }
0x41: {  	_ = 	snop  }
0x42: {  	[hbm4b:s5+s3] =	stream.indirect_vreg.scatter [tilespmem:s14], [sflag:$0x1], $0x80, v4, vm0, $0xb8;
	[tilespmem:$0xE080] =	vst v63  }
0x43: {  	_ = 	snop  }
0x44: {  	[hbm4b:s2+s3] =	stream.indirect_vreg.scatter [tilespmem:s15], [sflag:$0x1], $0x80, v3, vm0, $0xb8;
	[tilespmem:$0xE080] =	vst v63  }
0x45: {  	_ = 	snop  }
0x46: {  	[hbm4b:s4+s3] =	stream.indirect_vreg.scatter [tilespmem:s16], [sflag:$0x1], $0x80, v3, vm0, $0xb8;
	[tilespmem:$0xE080] =	vst v63  }
0x47: {  	_ = 	snop  }
0x48: {  	[hbm4b:s5+s3] =	stream.indirect_vreg.scatter [tilespmem:s17], [sflag:$0x1], $0x80, v3, vm0, $0xb8;
	[tilespmem:$0xE080] =	vst v63  }
0x49: {  	v3 =	vld [tilespmem:$0x20];
	_ =	sdelay $0x4  }
0x4a: {  	v62 =	vshrl.u32 v3, $0x3  }
0x4b: {  	v4 =	vmul.u32 $0x30, v62  }
0x4c: {  	v3 =	vand.u32 $0x7, v3  }
0x4d: {  	v3 =	vor.u32 v3, v4  }
0x4e: {  	v4 =	vperm.xlane v3, v0;
	_ =	sdelay $0x1  }
0x4f: {  	v4 =	vadd.s32 v1, v4;
	_ =	sdelay $0x3  }
0x50: {  	v3 =	vperm.xlane v3, v2  }
0x51: {  	[hbm4b:s2+s3] =	stream.indirect_vreg.scatter [tilespmem:s18], [sflag:$0x1], $0x80, v4, vm0, $0xb8;
	[tilespmem:$0xE080] =	vst v63  }
0x52: {  	v3 =	vadd.s32 v1, v3  }
0x53: {  	[hbm4b:s4+s3] =	stream.indirect_vreg.scatter [tilespmem:s19], [sflag:$0x1], $0x80, v4, vm0, $0xb8;
	[tilespmem:$0xE080] =	vst v63  }
0x54: {  	_ = 	snop  }
0x55: {  	[hbm4b:s5+s3] =	stream.indirect_vreg.scatter [tilespmem:s20], [sflag:$0x1], $0x80, v4, vm0, $0xb8;
	[tilespmem:$0xE080] =	vst v63  }
0x56: {  	_ = 	snop  }
0x57: {  	[hbm4b:s2+s3] =	stream.indirect_vreg.scatter [tilespmem:s21], [sflag:$0x1], $0x80, v3, vm0, $0xb8;
	[tilespmem:$0xE080] =	vst v63  }
0x58: {  	_ = 	snop  }
0x59: {  	[hbm4b:s4+s3] =	stream.indirect_vreg.scatter [tilespmem:s22], [sflag:$0x1], $0x80, v3, vm0, $0xb8;
	[tilespmem:$0xE080] =	vst v63  }
0x5a: {  	_ = 	snop  }
0x5b: {  	[hbm4b:s5+s3] =	stream.indirect_vreg.scatter [tilespmem:s23], [sflag:$0x1], $0x80, v3, vm0, $0xb8;
	[tilespmem:$0xE080] =	vst v63  }
0x5c: {  	v3 =	vld [tilespmem:$0x30];
	_ =	sdelay $0x4  }
0x5d: {  	v63 =	vshrl.u32 v3, $0x3  }
0x5e: {  	v4 =	vmul.u32 $0x30, v63  }
0x5f: {  	v3 =	vand.u32 $0x7, v3  }
0x60: {  	v3 =	vor.u32 v3, v4  }
0x61: {  	v4 =	vperm.xlane v3, v0;
	_ =	sdelay $0x1  }
0x62: {  	v4 =	vadd.s32 v1, v4;
	_ =	sdelay $0x3  }
0x63: {  	v3 =	vperm.xlane v3, v2  }
0x64: {  	[hbm4b:s2+s3] =	stream.indirect_vreg.scatter [tilespmem:s24], [sflag:$0x1], $0x80, v4, vm0, $0xb8;
	[tilespmem:$0xE080] =	vst v63  }
0x65: {  	v3 =	vadd.s32 v1, v3  }
0x66: {  	[hbm4b:s4+s3] =	stream.indirect_vreg.scatter [tilespmem:s25], [sflag:$0x1], $0x80, v4, vm0, $0xb8;
	[tilespmem:$0xE080] =	vst v63  }
0x67: {  	_ = 	snop  }
0x68: {  	[hbm4b:s5+s3] =	stream.indirect_vreg.scatter [tilespmem:s26], [sflag:$0x1], $0x80, v4, vm0, $0xb8;
	[tilespmem:$0xE080] =	vst v63  }
0x69: {  	_ = 	snop  }
0x6a: {  	[hbm4b:s2+s3] =	stream.indirect_vreg.scatter [tilespmem:s28], [sflag:$0x1], $0x80, v3, vm0, $0xb8;
	[tilespmem:$0xE080] =	vst v63  }
0x6b: {  	_ = 	snop  }
0x6c: {  	[hbm4b:s4+s3] =	stream.indirect_vreg.scatter [tilespmem:s29], [sflag:$0x1], $0x80, v3, vm0, $0xb8;
	[tilespmem:$0xE080] =	vst v63  }
0x6d: {  	_ = 	snop  }
0x6e: {  	[hbm4b:s5+s3] =	stream.indirect_vreg.scatter [tilespmem:s30], [sflag:$0x1], $0x80, v3, vm0, $0xb8;
	[tilespmem:$0xE080] =	vst v63  }
0x6f: {  	_ =	swait.ge [sflag:s31], $0xC000  }
0x70: {  	p0 =	sne.s32 s6, $0x1;
	[sflag:s31] =	ssyncset.done $0x0  }
.Ltmp0:
0x71: {  	s10 =	rddreg [dreg:$0x4];
	[sflag:s31] =	ssyncadd.s32 $0xFFFF4000;
	(pc) =	sbr.rel @p0 .LBB2_1-.Ltmp0, $4  }
0x72: {  	[hbm4b:s10+s1] =	stream.indirect.scatter [tilespmem:s9], [sflag:$0x1], $0x80, s3, s1, $0xb8;
	[tilespmem:$0xE080] =	vst v63  }
0x73: {  	_ =	swait.ge [sflag:s31], $0x2000  }
0x74: {  	[sflag:s31] =	ssyncset.done $0x0  }
0x75: {  	s6 =	sadd.s32 $0xFFFFFFFF, s6;
	[sflag:s31] =	ssyncadd.s32 $0xFFFFE000  }
0x76: {  	_ =	sfence.sel $0x180000  }
0x77: {  	[bflag:$0x0] =	sbarrier.arrive $0xFFFF  }
0x78: {  	_ =	strace $0x90000047  }
0x79: {  	s0 =	stileid.u32;
	[bflag:$0x2] =	sbarrier.arrive $0xFFFF  }
0x7a: {  	p0 =	sne.s32 s0, $0x0;
	s0 =	rddreg [dreg:$0x3]  }
0x7b: {  	s0 =	sadd.s32 @!p0 $0x100000, s0  }
0x7c: {  	[sflag:s0] =	ssyncadd.tile.s32 @!p0 $0x1;
	_ =	shalt  }
.Lfunc_end2:
_tile_overlayer_lowered:
.L_overlay_start_2:
0x7d: {  	(tag) =	ssettag $0x2  }
0x7e: {  	s0 =	rddreg [dreg:$0x0];
	s2 =	stileid.u32  }
0x7f: {  	s1 =	rddreg [dreg:$0x1];
	p0 =	sne.s32 s2, $0x0  }
0x80: {  	s3 =	rddreg [dreg:$0x2];
	[bflag:$0x3] =	sbarrier.arrive $0xFFFF;
	s2 =	simm.s32 @!p0 $0x1C02  }
0x81: {  	[timem:s3], [sflag:s2] =	dma.local @!p0 [hbm:s0], s1  }
0x82: {  	s0 =	simm.s32 @!p0 $0x2  }
0x83: {  	_ =	swait.ge @!p0 [sflag:s0], s1  }
0x84: {  	s1 =	ssub.s32 @!p0 $0x0, s1;
	[sflag:s0] =	ssyncset.done @!p0 $0x0  }
0x85: {  	[sflag:s0] =	ssyncadd.s32 @!p0 s1  }
0x86: {  	[bflag:$0x3] =	sbarrier.arrive $0xFFFF  }
0x87: {  	_ =	shalt  }

// kernel: kernel.9.cloned.1.call-start
scs
__scs_entry_jumppad:
0x0: {  	(pc) =	sbr.rel $0x88, $3  }
0x1: {  	(tag) =	ssettag $0x0;
	lr =	simm.s32 $0x1  }
0x2: {  	[smem:$0x3F9B] =	sst lr;
	_ =	strace $0xD0000000  }
0x3: {  	_ = 	snop  }
0x4: {  	_ = 	snop  }
0x5: {  	_ = 	snop  }
0x6: {  	_ = 	snop  }
0x7: {  	_ = 	snop  }
__scs_overlays_trampoline_lowered:
0x8: {  	[smem:$0x3FAA] =	sst s0  }
0x9: {  	[smem:$0x3FAB] =	sst s1  }
0xa: {  	[smem:$0x3FAC] =	sst s2  }
0xb: {  	[smem:$0x3FAD] =	sst s3  }
0xc: {  	[smem:$0x3FAE] =	sst s4  }
0xd: {  	[smem:$0x3FAF] =	sst s5  }
0xe: {  	[smem:$0x3FB0] =	sst s6  }
0xf: {  	[smem:$0x3FB1] =	sst s7  }
0x10: {  	[smem:$0x3FB2] =	sst s8  }
0x11: {  	[smem:$0x3FB3] =	sst s9;
	s0 =	simm.s32 @!p0 $0x0  }
0x12: {  	s1 =	sld [smem:$0x3F99];
	s0 =	simm.s32 @p0 $0x1  }
0x13: {  	[smem:$0x3FB4] =	sst s0;
	s0 =	simm.s32 @!p1 $0x0  }
0x14: {  	s2 =	sld [smem:$0x3F98];
	s0 =	simm.s32 @p1 $0x1  }
0x15: {  	[smem:$0x3FB5] =	sst s0;
	s0 =	simm.s32 @!p2 $0x0  }
0x16: {  	s3 =	sld [smem:$0x3FDB];
	s0 =	simm.s32 @p2 $0x1  }
0x17: {  	s4 =	simm.s32 $0x1BF5;
	[smem:$0x3FB7] =	sst s0  }
0x18: {  	s0 =	sld [smem:$0x3F9A];
	_ =	swait.ge [sflag:s4], $0x0  }
0x19: {  	s7 =	sld [smem:$0x3F9B]  }
0x1a: {  	s8 =	sadd.s32 $0xFFFFE003, lr  }
0x1b: {  	s9 =	sadd.s32 $0xFFFFFEF7, lr;
	s5 =	simm.s32 $0xFFFFFFFF;
	p2 =	slt.u32 s8, $0xFFFFF086  }
0x1c: {  	p1 =	slt.u32 s9, $0xF7A;
	s5 =	simm.s32 @!p2 $0x0  }
0x1d: {  	s5 =	simm.s32 @p1 $0x1;
	p0 =	seq.s32 s7, s2  }
0x1e: {  	s7 =	smul.u32 @!p0 $0xF7A, s2;
	p2 =	seq.s32 @!p0 s5, $0x0  }
0x1f: {  	s9 =	smul.u32 $0xF7A, s1;
	s8 =	simm.s32 @!p0 $0x1BF5;
	p2 =	por !p2, p0  }
0x20: {  	[sflag:s8] =	ssyncset.s32 @!p0 $0xFFFFF086;
	s6 =	sadd.s32 @!p0 s3, s7;
	s7 =	simm.s32 @!p0 $0x108  }
0x21: {  	s3 =	sadd.s32 s3, s9;
	s6 =	sadd.s32 @!p0 $0x88, s6;
	s7 =	simm.s32 @p2 $0x1082  }
0x22: {  	[simem:s7], [sflag:s8] =	dma.local @!p0 [hbm:s6], $0xF7A  }
0x23: {  	s9 =	sor.u32 $0xD0000000, s2;
	s6 =	simm.s32 $0x108;
	_ =	swait.ge @!p0 [sflag:s8], $0x0  }
0x24: {  	s3 =	sadd.s32 $0x88, s3;
	s6 =	simm.s32 @!p1 $0x1082;
	[sflag:s4] =	ssyncset.s32 $0xFFFFF086  }
0x25: {  	[simem:s6], [sflag:s4] =	dma.local [hbm:s3], $0xF7A  }
0x26: {  	[smem:$0x3F9B] =	sst s1;
	(tag) =	ssettag s2;
	_ =	strace s9  }
0x27: {  	s1 =	sld [smem:$0x3FAB]  }
0x28: {  	s2 =	sld [smem:$0x3FAC]  }
0x29: {  	s4 =	sld [smem:$0x3FAE]  }
0x2a: {  	p0 =	seq.s32 s5, $0x0;
	s5 =	sld [smem:$0x3FAF]  }
0x2b: {  	s6 =	sld [smem:$0x3FB0]  }
0x2c: {  	s7 =	sld [smem:$0x3FB1]  }
0x2d: {  	s3 =	simm.s32 $0x108;
	s8 =	sld [smem:$0x3FB2]  }
0x2e: {  	s3 =	simm.s32 @!p0 $0x1082;
	s9 =	sld [smem:$0x3FB3]  }
0x2f: {  	lr =	sadd.s32 s0, s3;
	s0 =	sld [smem:$0x3FAA]  }
0x30: {  	s3 =	sld [smem:$0x3FAD]  }
0x31: {  	[smem:$0x3FB6] =	sst s10  }
0x32: {  	s10 =	sld [smem:$0x3FB4];
	_ =	sdelay $0x3  }
0x33: {  	p0 =	seq.s32 s10, $0x1;
	s10 =	sld [smem:$0x3FB6];
	_ =	sdelay $0x3  }
0x34: {  	[smem:$0x3FB6] =	sst s10  }
0x35: {  	s10 =	sld [smem:$0x3FB5];
	_ =	sdelay $0x3  }
0x36: {  	p1 =	seq.s32 s10, $0x1;
	s10 =	sld [smem:$0x3FB6];
	_ =	sdelay $0x3  }
0x37: {  	[smem:$0x3FB6] =	sst s10  }
0x38: {  	s10 =	sld [smem:$0x3FB7]  }
0x39: {  	_ = 	snop;
	(pc) =	sbr.ind lr, $3  }
0x3a: {  	_ = 	snop  }
0x3b: {  	_ = 	snop  }
0x3c: {  	p2 =	seq.s32 s10, $0x1;
	s10 =	sld [smem:$0x3FB6]  }
0x3d: {  	_ =	shalt  }
0x3e: {  	_ =	shalt  }
0x3f: {  	_ =	shalt  }
0x40: {  	_ =	shalt  }
0x41: {  	_ =	shalt  }
0x42: {  	_ =	shalt  }
0x43: {  	_ =	shalt  }
0x44: {  	_ =	shalt  }
0x45: {  	_ =	shalt  }
0x46: {  	_ =	shalt  }
0x47: {  	_ =	shalt  }
0x48: {  	_ =	shalt  }
0x49: {  	_ =	shalt  }
0x4a: {  	_ =	shalt  }
0x4b: {  	_ =	shalt  }
0x4c: {  	_ =	shalt  }
0x4d: {  	_ =	shalt  }
0x4e: {  	_ =	shalt  }
0x4f: {  	_ =	shalt  }
0x50: {  	_ =	shalt  }
0x51: {  	_ =	shalt  }
0x52: {  	_ =	shalt  }
0x53: {  	_ =	shalt  }
0x54: {  	_ =	shalt  }
0x55: {  	_ =	shalt  }
0x56: {  	_ =	shalt  }
0x57: {  	_ =	shalt  }
0x58: {  	_ =	shalt  }
0x59: {  	_ =	shalt  }
0x5a: {  	_ =	shalt  }
0x5b: {  	_ =	shalt  }
0x5c: {  	_ =	shalt  }
0x5d: {  	_ =	shalt  }
0x5e: {  	_ =	shalt  }
0x5f: {  	_ =	shalt  }
0x60: {  	_ =	shalt  }
0x61: {  	_ =	shalt  }
0x62: {  	_ =	shalt  }
0x63: {  	_ =	shalt  }
0x64: {  	_ =	shalt  }
0x65: {  	_ =	shalt  }
0x66: {  	_ =	shalt  }
0x67: {  	_ =	shalt  }
0x68: {  	_ =	shalt  }
0x69: {  	_ =	shalt  }
0x6a: {  	_ =	shalt  }
0x6b: {  	_ =	shalt  }
0x6c: {  	_ =	shalt  }
0x6d: {  	_ =	shalt  }
0x6e: {  	_ =	shalt  }
0x6f: {  	_ =	shalt  }
0x70: {  	_ =	shalt  }
0x71: {  	_ =	shalt  }
0x72: {  	_ =	shalt  }
0x73: {  	_ =	shalt  }
0x74: {  	_ =	shalt  }
0x75: {  	_ =	shalt  }
0x76: {  	_ =	shalt  }
0x77: {  	_ =	shalt  }
0x78: {  	_ =	shalt  }
0x79: {  	_ =	shalt  }
0x7a: {  	_ =	shalt  }
0x7b: {  	_ =	shalt  }
0x7c: {  	_ =	shalt  }
0x7d: {  	_ =	shalt  }
0x7e: {  	_ =	shalt  }
0x7f: {  	_ =	shalt  }
0x80: {  	_ =	shalt  }
0x81: {  	_ =	shalt  }
0x82: {  	_ =	shalt  }
0x83: {  	_ =	shalt  }
0x84: {  	_ =	shalt  }
0x85: {  	_ =	shalt  }
0x86: {  	_ =	shalt  }
0x87: {  	_ =	shalt  }
.Lfunc_end0:
.L_simem_size_0:
called_computation.1_lowered:
.L_overlay_start_0:
0x88: {  	s2 =	sld [smem:$0x3FD9]  }
0x89: {  	s3 =	sld [smem:$0x3FFE];
	_ =	sdelay $0x1  }
0x8a: {  	s1 =	srdreg.scid  }
0x8b: {  	s0 =	sand.u32 $0x1, s1  }
0x8c: {  	s17 =	sshll.u32 s0, $0xA;
	s2 =	sadd.s32 s3, s2  }
0x8d: {  	s2 =	sadd.s32 s2, s17  }
0x8e: {  	[smem:$0x3FC2] =	sst s2  }
0x8f: {  	_ = 	snop  }
0x90: {  	s2 =	sld [smem:$0x3FD0];
	(tm) =	ssettm $0x1  }
0x91: {  	s18 =	sld [smem:$0x3FFB];
	_ =	sdelay $0x3  }
0x92: {  	_ =	strace s18  }
0x93: {  	s3 =	sld [smem:$0x3FFC];
	_ =	sdelay $0x3  }
0x94: {  	_ =	strace s3  }
0x95: {  	s3 =	sld [smem:$0x3FFD];
	_ =	sdelay $0x3  }
0x96: {  	_ =	strace s3  }
0x97: {  	_ =	strace $0x8FFFFFFF  }
0x98: {  	s19 =	sld [smem:$0x3FDB];
	_ =	sdelay $0x1  }
0x99: {  	s4 =	simm.s32 $_scs_section_size  }
0x9a: {  	s5 =	simm.s32 $_size__tile_overlayer_lowered;
	s6 =	simm.s32 $_tile_overlayer_lowered  }
0x9b: {  	s22 =	simm.s32 $0x1BFF;
	s21 =	sshll.u32 s6, $0x1;
	s3 =	sadd.s32 s4, s19  }
0x9c: {  	s7 =	simm.s32 $0x0;
	s20 =	sshll.u32 s5, $0x1;
	s5 =	sadd.s32 s21, s3  }
0x9d: {  	[timem:s7], [sflag:s22] =	dma.local [hbm:s5], s20  }
0x9e: {  	_ =	swait.ge [sflag:s22], s20  }
0x9f: {  	s4 =	ssub.s32 $0x0, s20;
	[sflag:s22] =	ssyncset.done $0x0  }
0xa0: {  	[sflag:s22] =	ssyncadd.s32 s4;
	_ =	sdelay $0x1  }
0xa1: {  	s23 =	simm.s32 $0x1B8B  }
0xa2: {  	_ =	swait.ge [sflag:s23], $0x1  }
0xa3: {  	[sflag:s23] =	ssyncset.done $0x0  }
0xa4: {  	s25 =	simm.s32 $0x1B8E;
	s24 =	sld [smem:$0x3FFE];
	[sflag:s23] =	ssyncadd.s32 $0xFFFFFFFF  }
0xa5: {  	s26 =	simm.s32 $execute0_lowered;
	[smem:$0x3FD2] =	sst s25  }
0xa6: {  	s5 =	sshll.u32 s26, $0x1;
	_ =	strace $0x80000049;
	[dreg:$0x1] =	wrdreg $0xFFFFFFFF  }
0xa7: {  	s28 =	simm.s32 $_size_execute0_lowered;
	s3 =	sadd.s32 s3, s5;
	[dreg:$0x0] =	wrdreg $0x0  }
0xa8: {  	s5 =	sshll.u32 s28, $0x1;
	[dreg:$0x2] =	wrdreg s3  }
0xa9: {  	[dreg:$0x3] =	wrdreg s5  }
0xaa: {  	[dreg:$0x4] =	wrdreg $0xC0  }
0xab: {  	_ =	task [dreg:s7], $0x5FFFF  }
0xac: {  	[dreg:$0x1] =	wrdreg $0xFFFFFFFF  }
0xad: {  	[dreg:$0x0] =	wrdreg $0x60  }
0xae: {  	[dreg:$0x2] =	wrdreg s24  }
0xaf: {  	[dreg:$0x3] =	wrdreg s2  }
0xb0: {  	[dreg:$0x4] =	wrdreg $0x9  }
0xb1: {  	_ =	task.clear_ibuf [dreg:s7], $0x5FFFF;
	_ =	strace $0x90000049  }
0xb2: {  	s29 =	simm.s32 $0x9;
	_ =	strace $0x8000004B  }
0xb3: {  	_ =	swait.ge [sflag:s29], $0x1  }
0xb4: {  	[sflag:s29] =	ssyncadd.s32 $0xFFFFFFFF  }
0xb5: {  	_ =	strace $0x9000004B  }
0xb6: {  	_ =	sfence  }
0xb7: {  	s30 =	sld [smem:$0x0];
	_ =	sdelay $0x2  }
0xb8: {  	s31 =	sshll.u32 s1, $0xD;
	s1 =	sshrl.u32 s1, $0x2  }
0xb9: {  	s3 =	sand.u32 $0x4000, s31;
	s1 =	sadd.s32 s1, s30  }
0xba: {  	s0 =	sor.u32 s3, s0;
	s1 =	sshll.u32 s1, $0x11  }
0xbb: {  	s0 =	sor.u32 s1, s0  }
0xbc: {  	s0 =	sadd.s32 $0x8F2B, s0  }
0xbd: {  	[sflag:s0] =	ssyncadd.remote.s32 $0x1  }
0xbe: {  	_ =	sfence.sel $0xFFFF  }
0xbf: {  	[dreg:$0x0] =	wrdreg $0xFFFFFFFF;
	(pc) =	sbr.abs _section_cstart, $3  }
0xc0: {  	[dreg:$0x1] =	wrdreg $0xFFFFFFFF  }
0xc1: {  	_ =	task.clear_ibuf [dreg:s7], $0x2FFFF;
	_ =	strace $0x9FFFFFFF  }
0xc2: {  	(tm) =	ssettm $0x7FFFFFFF  }
0xc3: {  	_ =	shalt  }
tec
execute0_lowered:
.L_overlay_start_1:
0x0: {  	(tag) =	ssettag $0x1  }
0x1: {  	s0 =	rddreg [dreg:$0x0]  }
0x2: {  	s5 =	rddreg [dreg:$0x1];
	s3 =	srdreg.scid  }
0x3: {  	s2 =	simm.s32 $0x0;
	s1 =	stileid.u32;
	s26 =	simm.s32 $0x880  }
0x4: {  	s10 =	simm.s32 $0x1880;
	s11 =	simm.s32 $0x2080;
	s12 =	simm.s32 $0x2880  }
0x5: {  	s13 =	simm.s32 $0x3080;
	s14 =	simm.s32 $0x3880;
	s15 =	simm.s32 $0x4080  }
0x6: {  	s16 =	simm.s32 $0x4880;
	s17 =	simm.s32 $0x5080;
	s18 =	simm.s32 $0x5880  }
0x7: {  	s19 =	simm.s32 $0x6080;
	s20 =	simm.s32 $0x6880;
	s21 =	simm.s32 $0x7080  }
0x8: {  	s22 =	simm.s32 $0x7880;
	s28 =	simm.s32 $0xA080;
	s29 =	simm.s32 $0xA880  }
0x9: {  	s30 =	simm.s32 $0xB080;
	s31 =	simm.s32 $0xB880;
	s3 =	sand.u32 $0x1, s3  }
0xa: {  	[smem:$0x7FF] =	sst s2;
	s4 =	sshll.u32 s1, $0x4;
	s6 =	sshll.u32 s3, $0x3  }
0xb: {  	_ =	strace $0x8000004A;
	s23 =	ssub.s32 $0x2, s3;
	s3 =	sadd.s32 $0x9C00, s0  }
0xc: {  	[dreg:$0x5] =	wrdreg s26;
	s26 =	simm.s32 $0x9880;
	s4 =	sor.u32 s6, s4  }
0xd: {  	s8 =	sshrl.u32 s23, $0x1;
	s7 =	sadd.s32 s4, s0;
	s9 =	smul.u32 $0x300, s4  }
0xe: {  	s6 =	ssub.s32 s23, s8;
	s4 =	sadd.s32 $0x9D00, s0;
	s8 =	simm.s32 $0x80  }
0xf: {  	s23 =	simm.s32 $0x8080;
	s24 =	sadd.s32 $0x9A00, s7;
	s6 =	smax.u32 s6, $0x1  }
0x10: {  	v2 =	vlaneseq.u32;
	s7 =	simm.s32 $0x2;
	[dreg:$0x3] =	wrdreg s24;
	s25 =	sadd.s32 s5, s9  }
0x11: {  	vm0 =	vmmov $0xffff;
	v1 =	vshrl.u32 v2, $0x3;
	s5 =	sadd.s32 $0x9E00, s0;
	s9 =	simm.s32 $0x1080;
	s24 =	simm.s32 $0x8880  }
0x12: {  	v0 =	vand.u32 $0x7, v2;
	v2 =	vor.u32 $0x8, v2;
	v1 =	vmul.u32 $0x8, v1;
	s0 =	simm.s32 $0x1;
	[dreg:$0x4] =	wrdreg s25;
	s25 =	simm.s32 $0x9080  }
.LBB2_1:
0x13: {  	s1 =	rddreg [dreg:$0x3]  }
0x14: {  	[tilespmem:s2], [sflag:$0x2] =	stream.linear.gather [hbm4b:s1+s2], $0x40, $0x38;
	[tilespmem:$0xC080] =	vst v63  }
0x15: {  	_ =	swait.ge [sflag:s7], $0x40  }
0x16: {  	[sflag:s7] =	ssyncset.done $0x0  }
0x17: {  	[sflag:s7] =	ssyncadd.s32 $0xFFFFFFC0  }
0x18: {  	v3 =	vld [tilespmem:$0x0];
	_ =	sdelay $0x4  }
0x19: {  	v4 =	vshrl.u32 v3, $0x3  }
0x1a: {  	v4 =	vmul.u32 $0x30, v4  }
0x1b: {  	v3 =	vand.u32 $0x7, v3  }
0x1c: {  	v3 =	vor.u32 v3, v4  }
0x1d: {  	v4 =	vperm.xlane v3, v0;
	_ =	sdelay $0x1  }
0x1e: {  	v4 =	vadd.s32 v1, v4;
	_ =	sdelay $0x3  }
0x1f: {  	v3 =	vperm.xlane v3, v2  }
0x20: {  	[tilespmem:s8], [sflag:$0x1] =	stream.indirect_vreg.gather [hbm4b:s3+s2], $0x80, v4, vm0, $0xb8;
	[tilespmem:$0xC080] =	vst v63  }
0x21: {  	s1 =	rddreg [dreg:$0x5];
	v3 =	vadd.s32 v1, v3  }
0x22: {  	[tilespmem:s1], [sflag:$0x1] =	stream.indirect_vreg.gather [hbm4b:s4+s2], $0x80, v4, vm0, $0xb8;
	[tilespmem:$0xC080] =	vst v63  }
0x23: {  	_ = 	snop  }
0x24: {  	[tilespmem:s9], [sflag:$0x1] =	stream.indirect_vreg.gather [hbm4b:s5+s2], $0x80, v4, vm0, $0xb8;
	[tilespmem:$0xC080] =	vst v63  }
0x25: {  	_ = 	snop  }
0x26: {  	[tilespmem:s10], [sflag:$0x1] =	stream.indirect_vreg.gather [hbm4b:s3+s2], $0x80, v3, vm0, $0xb8;
	[tilespmem:$0xC080] =	vst v63  }
0x27: {  	_ = 	snop  }
0x28: {  	[tilespmem:s11], [sflag:$0x1] =	stream.indirect_vreg.gather [hbm4b:s4+s2], $0x80, v3, vm0, $0xb8;
	[tilespmem:$0xC080] =	vst v63  }
0x29: {  	_ = 	snop  }
0x2a: {  	[tilespmem:s12], [sflag:$0x1] =	stream.indirect_vreg.gather [hbm4b:s5+s2], $0x80, v3, vm0, $0xb8;
	[tilespmem:$0xC080] =	vst v63  }
0x2b: {  	v3 =	vld [tilespmem:$0x10];
	_ =	sdelay $0x4  }
0x2c: {  	v61 =	vshrl.u32 v3, $0x3  }
0x2d: {  	v4 =	vmul.u32 $0x30, v61  }
0x2e: {  	v3 =	vand.u32 $0x7, v3  }
0x2f: {  	v3 =	vor.u32 v3, v4  }
0x30: {  	v4 =	vperm.xlane v3, v0;
	_ =	sdelay $0x1  }
0x31: {  	v4 =	vadd.s32 v1, v4;
	_ =	sdelay $0x3  }
0x32: {  	v3 =	vperm.xlane v3, v2  }
0x33: {  	[tilespmem:s13], [sflag:$0x1] =	stream.indirect_vreg.gather [hbm4b:s3+s2], $0x80, v4, vm0, $0xb8;
	[tilespmem:$0xC080] =	vst v63  }
0x34: {  	v3 =	vadd.s32 v1, v3  }
0x35: {  	[tilespmem:s14], [sflag:$0x1] =	stream.indirect_vreg.gather [hbm4b:s4+s2], $0x80, v4, vm0, $0xb8;
	[tilespmem:$0xC080] =	vst v63  }
0x36: {  	_ = 	snop  }
0x37: {  	[tilespmem:s15], [sflag:$0x1] =	stream.indirect_vreg.gather [hbm4b:s5+s2], $0x80, v4, vm0, $0xb8;
	[tilespmem:$0xC080] =	vst v63  }
0x38: {  	_ = 	snop  }
0x39: {  	[tilespmem:s16], [sflag:$0x1] =	stream.indirect_vreg.gather [hbm4b:s3+s2], $0x80, v3, vm0, $0xb8;
	[tilespmem:$0xC080] =	vst v63  }
0x3a: {  	_ = 	snop  }
0x3b: {  	[tilespmem:s17], [sflag:$0x1] =	stream.indirect_vreg.gather [hbm4b:s4+s2], $0x80, v3, vm0, $0xb8;
	[tilespmem:$0xC080] =	vst v63  }
0x3c: {  	_ = 	snop  }
0x3d: {  	[tilespmem:s18], [sflag:$0x1] =	stream.indirect_vreg.gather [hbm4b:s5+s2], $0x80, v3, vm0, $0xb8;
	[tilespmem:$0xC080] =	vst v63  }
0x3e: {  	v3 =	vld [tilespmem:$0x20];
	_ =	sdelay $0x4  }
0x3f: {  	v62 =	vshrl.u32 v3, $0x3  }
0x40: {  	v4 =	vmul.u32 $0x30, v62  }
0x41: {  	v3 =	vand.u32 $0x7, v3  }
0x42: {  	v3 =	vor.u32 v3, v4  }
0x43: {  	v4 =	vperm.xlane v3, v0;
	_ =	sdelay $0x1  }
0x44: {  	v4 =	vadd.s32 v1, v4;
	_ =	sdelay $0x3  }
0x45: {  	v3 =	vperm.xlane v3, v2  }
0x46: {  	[tilespmem:s19], [sflag:$0x1] =	stream.indirect_vreg.gather [hbm4b:s3+s2], $0x80, v4, vm0, $0xb8;
	[tilespmem:$0xC080] =	vst v63  }
0x47: {  	v3 =	vadd.s32 v1, v3  }
0x48: {  	[tilespmem:s20], [sflag:$0x1] =	stream.indirect_vreg.gather [hbm4b:s4+s2], $0x80, v4, vm0, $0xb8;
	[tilespmem:$0xC080] =	vst v63  }
0x49: {  	_ = 	snop  }
0x4a: {  	[tilespmem:s21], [sflag:$0x1] =	stream.indirect_vreg.gather [hbm4b:s5+s2], $0x80, v4, vm0, $0xb8;
	[tilespmem:$0xC080] =	vst v63  }
0x4b: {  	_ = 	snop  }
0x4c: {  	[tilespmem:s22], [sflag:$0x1] =	stream.indirect_vreg.gather [hbm4b:s3+s2], $0x80, v3, vm0, $0xb8;
	[tilespmem:$0xC080] =	vst v63  }
0x4d: {  	_ = 	snop  }
0x4e: {  	[tilespmem:s23], [sflag:$0x1] =	stream.indirect_vreg.gather [hbm4b:s4+s2], $0x80, v3, vm0, $0xb8;
	[tilespmem:$0xC080] =	vst v63  }
0x4f: {  	_ = 	snop  }
0x50: {  	[tilespmem:s24], [sflag:$0x1] =	stream.indirect_vreg.gather [hbm4b:s5+s2], $0x80, v3, vm0, $0xb8;
	[tilespmem:$0xC080] =	vst v63  }
0x51: {  	v3 =	vld [tilespmem:$0x30];
	_ =	sdelay $0x4  }
0x52: {  	v63 =	vshrl.u32 v3, $0x3  }
0x53: {  	v4 =	vmul.u32 $0x30, v63  }
0x54: {  	v3 =	vand.u32 $0x7, v3  }
0x55: {  	v3 =	vor.u32 v3, v4  }
0x56: {  	v4 =	vperm.xlane v3, v0;
	_ =	sdelay $0x1  }
0x57: {  	v4 =	vadd.s32 v1, v4;
	_ =	sdelay $0x3  }
0x58: {  	v3 =	vperm.xlane v3, v2  }
0x59: {  	[tilespmem:s25], [sflag:$0x1] =	stream.indirect_vreg.gather [hbm4b:s3+s2], $0x80, v4, vm0, $0xb8;
	[tilespmem:$0xC080] =	vst v63  }
0x5a: {  	v3 =	vadd.s32 v1, v3  }
0x5b: {  	[tilespmem:s26], [sflag:$0x1] =	stream.indirect_vreg.gather [hbm4b:s4+s2], $0x80, v4, vm0, $0xb8;
	[tilespmem:$0xC080] =	vst v63  }
0x5c: {  	_ = 	snop  }
0x5d: {  	[tilespmem:s28], [sflag:$0x1] =	stream.indirect_vreg.gather [hbm4b:s5+s2], $0x80, v4, vm0, $0xb8;
	[tilespmem:$0xC080] =	vst v63  }
0x5e: {  	_ = 	snop  }
0x5f: {  	[tilespmem:s29], [sflag:$0x1] =	stream.indirect_vreg.gather [hbm4b:s3+s2], $0x80, v3, vm0, $0xb8;
	[tilespmem:$0xC080] =	vst v63  }
0x60: {  	_ = 	snop  }
0x61: {  	[tilespmem:s30], [sflag:$0x1] =	stream.indirect_vreg.gather [hbm4b:s4+s2], $0x80, v3, vm0, $0xb8;
	[tilespmem:$0xC080] =	vst v63  }
0x62: {  	_ = 	snop  }
0x63: {  	[tilespmem:s31], [sflag:$0x1] =	stream.indirect_vreg.gather [hbm4b:s5+s2], $0x80, v3, vm0, $0xb8;
	[tilespmem:$0xC080] =	vst v63  }
0x64: {  	_ =	swait.ge [sflag:s0], $0xC000  }
0x65: {  	p0 =	sne.s32 s6, $0x1;
	[sflag:s0] =	ssyncset.done $0x0  }
.Ltmp0:
0x66: {  	s1 =	rddreg [dreg:$0x4];
	[sflag:s0] =	ssyncadd.s32 $0xFFFF4000;
	(pc) =	sbr.rel @p0 .LBB2_1-.Ltmp0, $4  }
0x67: {  	[hbm4b:s1+s2] =	stream.linear.scatter [tilespmem:s8], [sflag:$0x2], $0xC000, $0x38;
	[tilespmem:$0xC080] =	vst v63  }
0x68: {  	_ =	swait.ge [sflag:s7], $0xC000  }
0x69: {  	[sflag:s7] =	ssyncset.done $0x0  }
0x6a: {  	s6 =	sadd.s32 $0xFFFFFFFF, s6;
	[sflag:s7] =	ssyncadd.s32 $0xFFFF4000  }
0x6b: {  	_ =	sfence.sel $0x180000  }
0x6c: {  	[bflag:$0x0] =	sbarrier.arrive $0xFFFF  }
0x6d: {  	_ =	strace $0x9000004A  }
0x6e: {  	s0 =	stileid.u32;
	[bflag:$0x2] =	sbarrier.arrive $0xFFFF  }
0x6f: {  	p0 =	sne.s32 s0, $0x0;
	s0 =	rddreg [dreg:$0x2]  }
0x70: {  	s0 =	sadd.s32 @!p0 $0x100000, s0  }
0x71: {  	[sflag:s0] =	ssyncadd.tile.s32 @!p0 $0x1;
	_ =	shalt  }
.Lfunc_end2:
_tile_overlayer_lowered:
.L_overlay_start_2:
0x72: {  	(tag) =	ssettag $0x2  }
0x73: {  	s0 =	rddreg [dreg:$0x0];
	s2 =	stileid.u32  }
0x74: {  	s1 =	rddreg [dreg:$0x1];
	p0 =	sne.s32 s2, $0x0  }
0x75: {  	s3 =	rddreg [dreg:$0x2];
	[bflag:$0x3] =	sbarrier.arrive $0xFFFF;
	s2 =	simm.s32 @!p0 $0x1C02  }
0x76: {  	[timem:s3], [sflag:s2] =	dma.local @!p0 [hbm:s0], s1  }
0x77: {  	s0 =	simm.s32 @!p0 $0x2  }
0x78: {  	_ =	swait.ge @!p0 [sflag:s0], s1  }
0x79: {  	s1 =	ssub.s32 @!p0 $0x0, s1;
	[sflag:s0] =	ssyncset.done @!p0 $0x0  }
0x7a: {  	[sflag:s0] =	ssyncadd.s32 @!p0 s1  }
0x7b: {  	[bflag:$0x3] =	sbarrier.arrive $0xFFFF  }
0x7c: {  	_ =	shalt  }

</sc_bundles>
